<compile_context>
chip_gen: v7x
topology: tpu7x:2x2x1
jax: 0.10.2.dev20260603
libtpu: 0.0.44.dev20260713+nightly
codegen_flags: <defaults>
</compile_context>

<pallas_src>
import functools

import jax
import jax.numpy as jnp
from jax import lax
from jax.experimental import pallas as pl
from jax.experimental.pallas import tpu as pltpu
from jax.experimental.pallas import tpu_sc as plsc

N_NODES = 10000
N_PAD = 10240
E = 320000
NC, NS = 2, 16
NW = NC * NS
CHUNK = 128
NCHUNK = 80
E_PAD = NW * NCHUNK * CHUNK
N_EXTRA = E_PAD - E
ROWS_PER_TILE = N_PAD // NS

_MESH = plsc.VectorSubcoreMesh(core_axis_name="c", subcore_axis_name="s")


@functools.partial(
    pl.kernel,
    out_type=jax.ShapeDtypeStruct((NC, N_PAD, 1), jnp.float32),
    mesh=_MESH,
    scratch_types=(
        [pltpu.VMEM((NCHUNK, CHUNK), jnp.int32),
         pltpu.VMEM((CHUNK, 1), jnp.float32),
         pltpu.VMEM_SHARED((N_PAD, 1), jnp.float32)]
    ),
    compiler_params=pltpu.CompilerParams(use_tc_tiling_on_sc=False),
)
def _deg_sc(dst3d_hbm, ones_hbm, zeros_hbm, out_hbm, dstbuf, ones_v, acc):
    c = lax.axis_index("c")
    s = lax.axis_index("s")
    wid = s * NC + c
    row0 = s * ROWS_PER_TILE
    pltpu.sync_copy(ones_hbm, ones_v)
    pltpu.sync_copy(zeros_hbm.at[pl.ds(row0, ROWS_PER_TILE), :],
                    acc.at[pl.ds(row0, ROWS_PER_TILE), :])
    pltpu.sync_copy(dst3d_hbm.at[wid], dstbuf)
    plsc.subcore_barrier()

    def body(j, carry):
        pltpu.sync_copy(ones_v, acc.at[dstbuf.at[j]], add=True)
        return carry

    lax.fori_loop(0, NCHUNK, body, 0)
    plsc.subcore_barrier()
    pltpu.sync_copy(acc.at[pl.ds(row0, ROWS_PER_TILE), :],
                    out_hbm.at[c, pl.ds(row0, ROWS_PER_TILE), :])


def _make_agg(feat):
    @functools.partial(
        pl.kernel,
        out_type=jax.ShapeDtypeStruct((NC, N_PAD, feat), jnp.float32),
        mesh=_MESH,
        scratch_types=(
            [pltpu.VMEM((NCHUNK, CHUNK), jnp.int32),
             pltpu.VMEM((NCHUNK, CHUNK), jnp.int32),
             pltpu.VMEM((CHUNK, feat), jnp.float32),
             pltpu.VMEM_SHARED((N_PAD, feat), jnp.float32)]
        ),
        compiler_params=pltpu.CompilerParams(use_tc_tiling_on_sc=False),
    )
    def agg(y_hbm, src3d_hbm, dst3d_hbm, zeros_hbm, out_hbm,
            srcbuf, dstbuf, rows, acc):
        c = lax.axis_index("c")
        s = lax.axis_index("s")
        wid = s * NC + c
        row0 = s * ROWS_PER_TILE
        pltpu.sync_copy(zeros_hbm.at[pl.ds(row0, ROWS_PER_TILE), :],
                        acc.at[pl.ds(row0, ROWS_PER_TILE), :])
        pltpu.sync_copy(src3d_hbm.at[wid], srcbuf)
        pltpu.sync_copy(dst3d_hbm.at[wid], dstbuf)
        plsc.subcore_barrier()

        def body(j, carry):
            pltpu.sync_copy(y_hbm.at[srcbuf.at[j]], rows)
            pltpu.sync_copy(rows, acc.at[dstbuf.at[j]], add=True)
            return carry

        lax.fori_loop(0, NCHUNK, body, 0)
        plsc.subcore_barrier()
        pltpu.sync_copy(acc.at[pl.ds(row0, ROWS_PER_TILE), :],
                        out_hbm.at[c, pl.ds(row0, ROWS_PER_TILE), :])

    return agg


_agg32 = _make_agg(32)
_agg16 = _make_agg(16)


BM = 1000


def _mm1_body(x_ref, w_ref, degp_ref, y_ref, dinv_ref):
    deg = degp_ref[0] + degp_ref[1] + 1.0
    dinv = lax.rsqrt(deg)
    dinv_ref[...] = dinv
    y_ref[...] = jnp.dot(x_ref[...], w_ref[...],
                         preferred_element_type=jnp.float32) * dinv


def _mm1(x, W1, degp):
    return pl.pallas_call(
        _mm1_body,
        grid=(N_NODES // BM,),
        in_specs=[
            pl.BlockSpec((BM, 128), lambda i: (i, 0)),
            pl.BlockSpec((128, 32), lambda i: (0, 0)),
            pl.BlockSpec((NC, BM, 1), lambda i: (0, i, 0)),
        ],
        out_specs=[
            pl.BlockSpec((BM, 32), lambda i: (i, 0)),
            pl.BlockSpec((BM, 1), lambda i: (i, 0)),
        ],
        out_shape=[
            jax.ShapeDtypeStruct((N_NODES, 32), jnp.float32),
            jax.ShapeDtypeStruct((N_NODES, 1), jnp.float32),
        ],
    )(x, W1, degp)


def _fin1_body(aggp_ref, y1_ref, dinv_ref, b1_ref, w2_ref, y2_ref):
    dinv = dinv_ref[...]
    h = (aggp_ref[0] + aggp_ref[1] + y1_ref[...]) * dinv + b1_ref[...]
    h = jnp.maximum(h, 0.0)
    y2_ref[...] = jnp.dot(h, w2_ref[...],
                          preferred_element_type=jnp.float32) * dinv


def _fin1(aggp, y1, dinv, b1, W2):
    return pl.pallas_call(
        _fin1_body,
        grid=(N_NODES // BM,),
        in_specs=[
            pl.BlockSpec((NC, BM, 32), lambda i: (0, i, 0)),
            pl.BlockSpec((BM, 32), lambda i: (i, 0)),
            pl.BlockSpec((BM, 1), lambda i: (i, 0)),
            pl.BlockSpec((1, 32), lambda i: (0, 0)),
            pl.BlockSpec((32, 16), lambda i: (0, 0)),
        ],
        out_specs=pl.BlockSpec((BM, 16), lambda i: (i, 0)),
        out_shape=jax.ShapeDtypeStruct((N_NODES, 16), jnp.float32),
    )(aggp, y1, dinv, b1, W2)


def _fin2_body(aggp_ref, y2_ref, dinv_ref, b2_ref, o_ref):
    z = ((aggp_ref[0] + aggp_ref[1] + y2_ref[...]) * dinv_ref[...]
         + b2_ref[...])
    m = jnp.max(z, axis=1, keepdims=True)
    zm = z - m
    lse = jnp.log(jnp.sum(jnp.exp(zm), axis=1, keepdims=True))
    o_ref[...] = zm - lse


def _fin2(aggp, y2, dinv, b2):
    return pl.pallas_call(
        _fin2_body,
        grid=(N_NODES // BM,),
        in_specs=[
            pl.BlockSpec((NC, BM, 16), lambda i: (0, i, 0)),
            pl.BlockSpec((BM, 16), lambda i: (i, 0)),
            pl.BlockSpec((BM, 1), lambda i: (i, 0)),
            pl.BlockSpec((1, 16), lambda i: (0, 0)),
        ],
        out_specs=pl.BlockSpec((BM, 16), lambda i: (i, 0)),
        out_shape=jax.ShapeDtypeStruct((N_NODES, 16), jnp.float32),
    )(aggp, y2, dinv, b2)


def kernel(x, edge_index, W1, b1, W2, b2):
    src = edge_index[0].astype(jnp.int32)
    dst = edge_index[1].astype(jnp.int32)
    pad_iota = jnp.arange(N_EXTRA, dtype=jnp.int32)
    src_p = jnp.concatenate([src, pad_iota % N_NODES])
    dst_p = jnp.concatenate([dst, N_NODES + pad_iota % (N_PAD - N_NODES)])
    src3d = src_p.reshape(NW, NCHUNK, CHUNK)
    dst3d = dst_p.reshape(NW, NCHUNK, CHUNK)

    degp = _deg_sc(dst3d, jnp.ones((CHUNK, 1), jnp.float32),
                   jnp.zeros((N_PAD, 1), jnp.float32))
    y1, dinv = _mm1(x, W1, degp)

    aggp1 = _agg32(y1, src3d, dst3d, jnp.zeros((N_PAD, 32), jnp.float32))
    y2 = _fin1(aggp1, y1, dinv, b1.reshape(1, 32), W2)

    aggp2 = _agg16(y2, src3d, dst3d, jnp.zeros((N_PAD, 16), jnp.float32))
    return _fin2(aggp2, y2, dinv, b2.reshape(1, 16))

# --- scband reference (transcript-rebuilt; emitter-appended) ---
"""Pipeline reference for scband-net-5446018531619 (READ-ONLY COPY).

The authoritative reference and input builder live on the scoring server;
editing this copy changes nothing except your own understanding.
"""

import jax, jax.numpy as jnp
import numpy as np

NUM_NODES = 10000
D_FEAT = 128
HIDDEN = 32
NUM_CLASSES = 16
N_EDGES = 320000


def setup_inputs(seed: int = 0) -> dict:
    key = jax.random.key(seed)
    k1, k2, k3, k4, k5, k6 = jax.random.split(key, 6)
    x = jax.random.normal(k1, (NUM_NODES, D_FEAT), dtype=jnp.float32)
    edge_index = jax.random.randint(k2, (2, N_EDGES), 0, NUM_NODES, dtype=jnp.int64)
    # GCNConv parameters (Glorot-style scale)
    W1 = jax.random.normal(k3, (D_FEAT, HIDDEN), dtype=jnp.float32) * (1.0 / np.sqrt(D_FEAT))
    b1 = jnp.zeros((HIDDEN,), dtype=jnp.float32)
    W2 = jax.random.normal(k4, (HIDDEN, NUM_CLASSES), dtype=jnp.float32) * (1.0 / np.sqrt(HIDDEN))
    b2 = jnp.zeros((NUM_CLASSES,), dtype=jnp.float32)
    return {"x": x, "edge_index": edge_index, "W1": W1, "b1": b1, "W2": W2, "b2": b2}


def _gcn_conv(x, W, b, edge_index, num_nodes):
    # x' = D^{-1/2} (A + I) D^{-1/2} X W + b   (symmetric GCN normalization with self-loops)
    xw = x @ W
    src = edge_index[0]
    dst = edge_index[1]
    loop = jnp.arange(num_nodes, dtype=src.dtype)
    src_f = jnp.concatenate([src, loop])
    dst_f = jnp.concatenate([dst, loop])
    deg = jnp.zeros((num_nodes,), dtype=xw.dtype).at[dst_f].add(1.0)
    dinv = jax.lax.rsqrt(jnp.maximum(deg, 1e-12))
    norm = dinv[src_f] * dinv[dst_f]
    msg = xw[src_f] * norm[:, None]
    out = jnp.zeros((num_nodes, xw.shape[1]), dtype=xw.dtype).at[dst_f].add(msg)
    return out + b


def reference(x, edge_index, W1, b1, W2, b2):
    num_nodes = x.shape[0]
    h = _gcn_conv(x, W1, b1, edge_index, num_nodes)
    h = jax.nn.relu(h)
    # F.dropout(training=self.training): identity in eval mode (deterministic reference)
    h = _gcn_conv(h, W2, b2, edge_index, num_nodes)
    return jax.nn.log_softmax(h, axis=1)

if __name__ == "__main__":
    import jax
    _d = setup_inputs()
    print(jax.jit(kernel)(*tuple(_d.values())))

</pallas_src>

<mosaic_0001>
#map = affine_map<(d0, d1) -> (0, 0)>
#map1 = affine_map<(d0, d1) -> (0, 0, 0)>
module attributes {stable_mosaic.version = 14 : i64} {
  func.func @agg(%arg0: i32, %arg1: i32, %arg2: memref<10000x32xf32, #tpu.memory_space<hbm>>, %arg3: memref<32x80x128xi32, #tpu.memory_space<hbm>>, %arg4: memref<32x80x128xi32, #tpu.memory_space<hbm>>, %arg5: memref<10240x32xf32, #tpu.memory_space<hbm>>, %arg6: memref<2x10240x32xf32, #tpu.memory_space<hbm>>, %arg7: memref<80x128xi32, #tpu.memory_space<vmem>>, %arg8: memref<80x128xi32, #tpu.memory_space<vmem>>, %arg9: memref<128x32xf32, #tpu.memory_space<vmem>>, %arg10: memref<10240x32xf32, #tpu.memory_space<vmem_shared>>) attributes {dimension_semantics = [#tpu.dimension_semantics<core_parallel>, #tpu.dimension_semantics<subcore_parallel>], iteration_bounds = array<i64: 2, 16>, scalar_prefetch = 0 : i64, scratch_operands = 4 : i64, tpu.core_type = #tpu.core_type<sc_vector_subcore>, window_params = [{transform_indices = #map}, {transform_indices = #map1}, {transform_indices = #map1}, {transform_indices = #map}, {transform_indices = #map1}]} {
    %mul3A = arith.constant 2 : i32
    %mul3A_0 = arith.muli %arg1, %mul3A : i32
    %add3A = arith.addi %mul3A_0, %arg0 : i32
    %mul3A_1 = arith.constant 640 : i32
    %mul3A_2 = arith.muli %arg1, %mul3A_1 : i32
    "tpu.region"() ({
      %run_scoped3A = tpu.sem_alloc : memref<!tpu.dma_semaphore, #tpu.memory_space<semaphore_mem>>
      %dma_start3A = arith.constant 0 : i32
      %dma_start3A_9 = tpu.memref_slice %arg10[%mul3A_2, %dma_start3A] : memref<10240x32xf32, #tpu.memory_space<vmem_shared>> -> memref<640x32xf32, #tpu.memory_space<vmem_shared>>
      %dma_start3A_10 = arith.constant 0 : i32
      %dma_start3A_11 = tpu.memref_slice %arg5[%mul3A_2, %dma_start3A_10] : memref<10240x32xf32, #tpu.memory_space<hbm>> -> memref<640x32xf32, #tpu.memory_space<hbm>>
      tpu.enqueue_dma source(%dma_start3A_11 : memref<640x32xf32, #tpu.memory_space<hbm>>) target(%dma_start3A_9 : memref<640x32xf32, #tpu.memory_space<vmem_shared>>) target_semaphore(%run_scoped3A : memref<!tpu.dma_semaphore, #tpu.memory_space<semaphore_mem>>)
      %dma_wait3A = arith.constant 0 : i32
      %dma_wait3A_12 = tpu.memref_slice %arg10[%mul3A_2, %dma_wait3A] : memref<10240x32xf32, #tpu.memory_space<vmem_shared>> -> memref<640x32xf32, #tpu.memory_space<vmem_shared>>
      %dma_wait3A_13 = arith.constant 0 : i32
      %dma_wait3A_14 = tpu.memref_slice %arg5[%mul3A_2, %dma_wait3A_13] : memref<10240x32xf32, #tpu.memory_space<hbm>> -> memref<640x32xf32, #tpu.memory_space<hbm>>
      tpu.wait_dma2 semaphore(%run_scoped3A : memref<!tpu.dma_semaphore, #tpu.memory_space<semaphore_mem>>) src(%dma_wait3A_14 : memref<640x32xf32, #tpu.memory_space<hbm>>) dst(%dma_wait3A_12 : memref<640x32xf32, #tpu.memory_space<vmem_shared>>)
      tpu.yield
    }) : () -> ()
    "tpu.region"() ({
      %run_scoped3A = tpu.sem_alloc : memref<!tpu.dma_semaphore, #tpu.memory_space<semaphore_mem>>
      %dma_start3A = arith.constant 0 : i32
      %dma_start3A_9 = arith.constant 0 : i32
      %dma_start3A_10 = tpu.memref_slice %arg3[%add3A, %dma_start3A, %dma_start3A_9] : memref<32x80x128xi32, #tpu.memory_space<hbm>> -> memref<1x80x128xi32, #tpu.memory_space<hbm>>
      %dma_start3A_11 = tpu.memref_squeeze %dma_start3A_10 : memref<1x80x128xi32, #tpu.memory_space<hbm>> -> memref<80x128xi32, #tpu.memory_space<hbm>>
      %dma_start3A_12 = arith.constant 0 : i32
      %dma_start3A_13 = arith.constant 0 : i32
      %dma_start3A_14 = tpu.memref_slice %arg3[%add3A, %dma_start3A_12, %dma_start3A_13] : memref<32x80x128xi32, #tpu.memory_space<hbm>> -> memref<1x80x128xi32, #tpu.memory_space<hbm>>
      %dma_start3A_15 = tpu.memref_squeeze %dma_start3A_14 : memref<1x80x128xi32, #tpu.memory_space<hbm>> -> memref<80x128xi32, #tpu.memory_space<hbm>>
      tpu.enqueue_dma source(%dma_start3A_15 : memref<80x128xi32, #tpu.memory_space<hbm>>) target(%arg7 : memref<80x128xi32, #tpu.memory_space<vmem>>) target_semaphore(%run_scoped3A : memref<!tpu.dma_semaphore, #tpu.memory_space<semaphore_mem>>)
      %dma_wait3A = arith.constant 0 : i32
      %dma_wait3A_16 = arith.constant 0 : i32
      %dma_wait3A_17 = tpu.memref_slice %arg3[%add3A, %dma_wait3A, %dma_wait3A_16] : memref<32x80x128xi32, #tpu.memory_space<hbm>> -> memref<1x80x128xi32, #tpu.memory_space<hbm>>
      %dma_wait3A_18 = tpu.memref_squeeze %dma_wait3A_17 : memref<1x80x128xi32, #tpu.memory_space<hbm>> -> memref<80x128xi32, #tpu.memory_space<hbm>>
      %dma_wait3A_19 = arith.constant 0 : i32
      %dma_wait3A_20 = arith.constant 0 : i32
      %dma_wait3A_21 = tpu.memref_slice %arg3[%add3A, %dma_wait3A_19, %dma_wait3A_20] : memref<32x80x128xi32, #tpu.memory_space<hbm>> -> memref<1x80x128xi32, #tpu.memory_space<hbm>>
      %dma_wait3A_22 = tpu.memref_squeeze %dma_wait3A_21 : memref<1x80x128xi32, #tpu.memory_space<hbm>> -> memref<80x128xi32, #tpu.memory_space<hbm>>
      tpu.wait_dma2 semaphore(%run_scoped3A : memref<!tpu.dma_semaphore, #tpu.memory_space<semaphore_mem>>) src(%dma_wait3A_22 : memref<80x128xi32, #tpu.memory_space<hbm>>) dst(%arg7 : memref<80x128xi32, #tpu.memory_space<vmem>>)
      tpu.yield
    }) : () -> ()
    "tpu.region"() ({
      %run_scoped3A = tpu.sem_alloc : memref<!tpu.dma_semaphore, #tpu.memory_space<semaphore_mem>>
      %dma_start3A = arith.constant 0 : i32
      %dma_start3A_9 = arith.constant 0 : i32
      %dma_start3A_10 = tpu.memref_slice %arg4[%add3A, %dma_start3A, %dma_start3A_9] : memref<32x80x128xi32, #tpu.memory_space<hbm>> -> memref<1x80x128xi32, #tpu.memory_space<hbm>>
      %dma_start3A_11 = tpu.memref_squeeze %dma_start3A_10 : memref<1x80x128xi32, #tpu.memory_space<hbm>> -> memref<80x128xi32, #tpu.memory_space<hbm>>
      %dma_start3A_12 = arith.constant 0 : i32
      %dma_start3A_13 = arith.constant 0 : i32
      %dma_start3A_14 = tpu.memref_slice %arg4[%add3A, %dma_start3A_12, %dma_start3A_13] : memref<32x80x128xi32, #tpu.memory_space<hbm>> -> memref<1x80x128xi32, #tpu.memory_space<hbm>>
      %dma_start3A_15 = tpu.memref_squeeze %dma_start3A_14 : memref<1x80x128xi32, #tpu.memory_space<hbm>> -> memref<80x128xi32, #tpu.memory_space<hbm>>
      tpu.enqueue_dma source(%dma_start3A_15 : memref<80x128xi32, #tpu.memory_space<hbm>>) target(%arg8 : memref<80x128xi32, #tpu.memory_space<vmem>>) target_semaphore(%run_scoped3A : memref<!tpu.dma_semaphore, #tpu.memory_space<semaphore_mem>>)
      %dma_wait3A = arith.constant 0 : i32
      %dma_wait3A_16 = arith.constant 0 : i32
      %dma_wait3A_17 = tpu.memref_slice %arg4[%add3A, %dma_wait3A, %dma_wait3A_16] : memref<32x80x128xi32, #tpu.memory_space<hbm>> -> memref<1x80x128xi32, #tpu.memory_space<hbm>>
      %dma_wait3A_18 = tpu.memref_squeeze %dma_wait3A_17 : memref<1x80x128xi32, #tpu.memory_space<hbm>> -> memref<80x128xi32, #tpu.memory_space<hbm>>
      %dma_wait3A_19 = arith.constant 0 : i32
      %dma_wait3A_20 = arith.constant 0 : i32
      %dma_wait3A_21 = tpu.memref_slice %arg4[%add3A, %dma_wait3A_19, %dma_wait3A_20] : memref<32x80x128xi32, #tpu.memory_space<hbm>> -> memref<1x80x128xi32, #tpu.memory_space<hbm>>
      %dma_wait3A_22 = tpu.memref_squeeze %dma_wait3A_21 : memref<1x80x128xi32, #tpu.memory_space<hbm>> -> memref<80x128xi32, #tpu.memory_space<hbm>>
      tpu.wait_dma2 semaphore(%run_scoped3A : memref<!tpu.dma_semaphore, #tpu.memory_space<semaphore_mem>>) src(%dma_wait3A_22 : memref<80x128xi32, #tpu.memory_space<hbm>>) dst(%arg8 : memref<80x128xi32, #tpu.memory_space<vmem>>)
      tpu.yield
    }) : () -> ()
    %barrier3A = arith.constant 0 : index
    tpu.barrier barrier_id(%barrier3A)
    %scan3A = arith.constant 0 : i32
    %scan3A_3 = arith.constant 0 : i32
    %scan3A_4 = arith.constant 80 : i32
    %scan3A_5 = arith.addi %scan3A_3, %scan3A_4 : i32
    %scan3A_6 = arith.constant 1 : i32
    scf.for %scan3A_9 = %scan3A_3 to %scan3A_5 step %scan3A_6  : i32 {
      "tpu.region"() ({
        %run_scoped3A = tpu.sem_alloc : memref<!tpu.dma_semaphore, #tpu.memory_space<semaphore_mem>>
        %dma_start3A = arith.constant 0 : i32
        %dma_start3A_10 = tpu.memref_slice %arg7[%scan3A_9, %dma_start3A] : memref<80x128xi32, #tpu.memory_space<vmem>> -> memref<1x128xi32, #tpu.memory_space<vmem>>
        %dma_start3A_11 = tpu.memref_squeeze %dma_start3A_10 : memref<1x128xi32, #tpu.memory_space<vmem>> -> memref<128xi32, #tpu.memory_space<vmem>>
        %dma_start3A_12 = arith.constant 0 : i32
        %dma_start3A_13 = arith.constant 0 : i32
        %dma_start3A_14 = tpu.memref_slice %arg2[%dma_start3A_12, %dma_start3A_13] : memref<10000x32xf32, #tpu.memory_space<hbm>> -> memref<10000x32xf32, #tpu.memory_space<hbm>>
        tpu.enqueue_indirect_dma source(%dma_start3A_14 : memref<10000x32xf32, #tpu.memory_space<hbm>>) target(%arg9 : memref<128x32xf32, #tpu.memory_space<vmem>>) offsets(%dma_start3A_11 : memref<128xi32, #tpu.memory_space<vmem>>) semaphore(%run_scoped3A : memref<!tpu.dma_semaphore, #tpu.memory_space<semaphore_mem>>)
        %dma_wait3A = arith.constant 0 : i32
        %dma_wait3A_15 = tpu.memref_slice %arg7[%scan3A_9, %dma_wait3A] : memref<80x128xi32, #tpu.memory_space<vmem>> -> memref<1x128xi32, #tpu.memory_space<vmem>>
        %dma_wait3A_16 = tpu.memref_squeeze %dma_wait3A_15 : memref<1x128xi32, #tpu.memory_space<vmem>> -> memref<128xi32, #tpu.memory_space<vmem>>
        %dma_wait3A_17 = arith.constant 0 : i32
        %dma_wait3A_18 = arith.constant 0 : i32
        %dma_wait3A_19 = tpu.memref_slice %arg2[%dma_wait3A_17, %dma_wait3A_18] : memref<10000x32xf32, #tpu.memory_space<hbm>> -> memref<10000x32xf32, #tpu.memory_space<hbm>>
        tpu.wait_indirect_dma semaphore(%run_scoped3A : memref<!tpu.dma_semaphore, #tpu.memory_space<semaphore_mem>>) src(%dma_wait3A_19 : memref<10000x32xf32, #tpu.memory_space<hbm>>) dst(%arg9 : memref<128x32xf32, #tpu.memory_space<vmem>>)
        tpu.yield
      }) : () -> ()
      "tpu.region"() ({
        %run_scoped3A = tpu.sem_alloc : memref<!tpu.dma_semaphore, #tpu.memory_space<semaphore_mem>>
        %dma_start3A = arith.constant 0 : i32
        %dma_start3A_10 = tpu.memref_slice %arg8[%scan3A_9, %dma_start3A] : memref<80x128xi32, #tpu.memory_space<vmem>> -> memref<1x128xi32, #tpu.memory_space<vmem>>
        %dma_start3A_11 = tpu.memref_squeeze %dma_start3A_10 : memref<1x128xi32, #tpu.memory_space<vmem>> -> memref<128xi32, #tpu.memory_space<vmem>>
        %dma_start3A_12 = arith.constant 0 : i32
        %dma_start3A_13 = arith.constant 0 : i32
        %dma_start3A_14 = tpu.memref_slice %arg10[%dma_start3A_12, %dma_start3A_13] : memref<10240x32xf32, #tpu.memory_space<vmem_shared>> -> memref<10240x32xf32, #tpu.memory_space<vmem_shared>>
        tpu.enqueue_indirect_dma source(%arg9 : memref<128x32xf32, #tpu.memory_space<vmem>>) target(%dma_start3A_14 : memref<10240x32xf32, #tpu.memory_space<vmem_shared>>) offsets(%dma_start3A_11 : memref<128xi32, #tpu.memory_space<vmem>>) semaphore(%run_scoped3A : memref<!tpu.dma_semaphore, #tpu.memory_space<semaphore_mem>>) {add = true}
        %dma_wait3A = arith.constant 0 : i32
        %dma_wait3A_15 = tpu.memref_slice %arg8[%scan3A_9, %dma_wait3A] : memref<80x128xi32, #tpu.memory_space<vmem>> -> memref<1x128xi32, #tpu.memory_space<vmem>>
        %dma_wait3A_16 = tpu.memref_squeeze %dma_wait3A_15 : memref<1x128xi32, #tpu.memory_space<vmem>> -> memref<128xi32, #tpu.memory_space<vmem>>
        %dma_wait3A_17 = arith.constant 0 : i32
        %dma_wait3A_18 = arith.constant 0 : i32
        %dma_wait3A_19 = tpu.memref_slice %arg10[%dma_wait3A_17, %dma_wait3A_18] : memref<10240x32xf32, #tpu.memory_space<vmem_shared>> -> memref<10240x32xf32, #tpu.memory_space<vmem_shared>>
        tpu.wait_indirect_dma semaphore(%run_scoped3A : memref<!tpu.dma_semaphore, #tpu.memory_space<semaphore_mem>>) src(%arg9 : memref<128x32xf32, #tpu.memory_space<vmem>>) dst(%dma_wait3A_19 : memref<10240x32xf32, #tpu.memory_space<vmem_shared>>)
        tpu.yield
      }) : () -> ()
    }
    %scan3A_7 = arith.constant 80 : i32
    %barrier3A_8 = arith.constant 0 : index
    tpu.barrier barrier_id(%barrier3A_8)
    "tpu.region"() ({
      %run_scoped3A = tpu.sem_alloc : memref<!tpu.dma_semaphore, #tpu.memory_space<semaphore_mem>>
      %dma_start3A = arith.constant 0 : i32
      %dma_start3A_9 = tpu.memref_slice %arg6[%arg0, %mul3A_2, %dma_start3A] : memref<2x10240x32xf32, #tpu.memory_space<hbm>> -> memref<1x640x32xf32, #tpu.memory_space<hbm>>
      %dma_start3A_10 = tpu.memref_squeeze %dma_start3A_9 : memref<1x640x32xf32, #tpu.memory_space<hbm>> -> memref<640x32xf32, #tpu.memory_space<hbm>>
      %dma_start3A_11 = arith.constant 0 : i32
      %dma_start3A_12 = tpu.memref_slice %arg10[%mul3A_2, %dma_start3A_11] : memref<10240x32xf32, #tpu.memory_space<vmem_shared>> -> memref<640x32xf32, #tpu.memory_space<vmem_shared>>
      tpu.enqueue_dma source(%dma_start3A_12 : memref<640x32xf32, #tpu.memory_space<vmem_shared>>) target(%dma_start3A_10 : memref<640x32xf32, #tpu.memory_space<hbm>>) target_semaphore(%run_scoped3A : memref<!tpu.dma_semaphore, #tpu.memory_space<semaphore_mem>>)
      %dma_wait3A = arith.constant 0 : i32
      %dma_wait3A_13 = tpu.memref_slice %arg6[%arg0, %mul3A_2, %dma_wait3A] : memref<2x10240x32xf32, #tpu.memory_space<hbm>> -> memref<1x640x32xf32, #tpu.memory_space<hbm>>
      %dma_wait3A_14 = tpu.memref_squeeze %dma_wait3A_13 : memref<1x640x32xf32, #tpu.memory_space<hbm>> -> memref<640x32xf32, #tpu.memory_space<hbm>>
      %dma_wait3A_15 = arith.constant 0 : i32
      %dma_wait3A_16 = tpu.memref_slice %arg10[%mul3A_2, %dma_wait3A_15] : memref<10240x32xf32, #tpu.memory_space<vmem_shared>> -> memref<640x32xf32, #tpu.memory_space<vmem_shared>>
      tpu.wait_dma2 semaphore(%run_scoped3A : memref<!tpu.dma_semaphore, #tpu.memory_space<semaphore_mem>>) src(%dma_wait3A_16 : memref<640x32xf32, #tpu.memory_space<vmem_shared>>) dst(%dma_wait3A_14 : memref<640x32xf32, #tpu.memory_space<hbm>>)
      tpu.yield
    }) : () -> ()
    return
  }
}

#map = affine_map<(d0, d1) -> (0, 0, 0)>
#map1 = affine_map<(d0, d1) -> (0, 0)>
module attributes {stable_mosaic.version = 14 : i64} {
  func.func @_deg_sc(%arg0: i32, %arg1: i32, %arg2: memref<32x80x128xi32, #tpu.memory_space<hbm>>, %arg3: memref<128x1xf32, #tpu.memory_space<hbm>>, %arg4: memref<10240x1xf32, #tpu.memory_space<hbm>>, %arg5: memref<2x10240x1xf32, #tpu.memory_space<hbm>>, %arg6: memref<80x128xi32, #tpu.memory_space<vmem>>, %arg7: memref<128x1xf32, #tpu.memory_space<vmem>>, %arg8: memref<10240x1xf32, #tpu.memory_space<vmem_shared>>) attributes {dimension_semantics = [#tpu.dimension_semantics<core_parallel>, #tpu.dimension_semantics<subcore_parallel>], iteration_bounds = array<i64: 2, 16>, scalar_prefetch = 0 : i64, scratch_operands = 3 : i64, tpu.core_type = #tpu.core_type<sc_vector_subcore>, window_params = [{transform_indices = #map}, {transform_indices = #map1}, {transform_indices = #map1}, {transform_indices = #map}]} {
    %mul3A = arith.constant 2 : i32
    %mul3A_0 = arith.muli %arg1, %mul3A : i32
    %add3A = arith.addi %mul3A_0, %arg0 : i32
    %mul3A_1 = arith.constant 640 : i32
    %mul3A_2 = arith.muli %arg1, %mul3A_1 : i32
    "tpu.region"() ({
      %run_scoped3A = tpu.sem_alloc : memref<!tpu.dma_semaphore, #tpu.memory_space<semaphore_mem>>
      tpu.enqueue_dma source(%arg3 : memref<128x1xf32, #tpu.memory_space<hbm>>) target(%arg7 : memref<128x1xf32, #tpu.memory_space<vmem>>) target_semaphore(%run_scoped3A : memref<!tpu.dma_semaphore, #tpu.memory_space<semaphore_mem>>)
      tpu.wait_dma2 semaphore(%run_scoped3A : memref<!tpu.dma_semaphore, #tpu.memory_space<semaphore_mem>>) src(%arg3 : memref<128x1xf32, #tpu.memory_space<hbm>>) dst(%arg7 : memref<128x1xf32, #tpu.memory_space<vmem>>)
      tpu.yield
    }) : () -> ()
    "tpu.region"() ({
      %run_scoped3A = tpu.sem_alloc : memref<!tpu.dma_semaphore, #tpu.memory_space<semaphore_mem>>
      %dma_start3A = arith.constant 0 : i32
      %dma_start3A_9 = tpu.memref_slice %arg8[%mul3A_2, %dma_start3A] : memref<10240x1xf32, #tpu.memory_space<vmem_shared>> -> memref<640x1xf32, #tpu.memory_space<vmem_shared>>
      %dma_start3A_10 = arith.constant 0 : i32
      %dma_start3A_11 = tpu.memref_slice %arg4[%mul3A_2, %dma_start3A_10] : memref<10240x1xf32, #tpu.memory_space<hbm>> -> memref<640x1xf32, #tpu.memory_space<hbm>>
      tpu.enqueue_dma source(%dma_start3A_11 : memref<640x1xf32, #tpu.memory_space<hbm>>) target(%dma_start3A_9 : memref<640x1xf32, #tpu.memory_space<vmem_shared>>) target_semaphore(%run_scoped3A : memref<!tpu.dma_semaphore, #tpu.memory_space<semaphore_mem>>)
      %dma_wait3A = arith.constant 0 : i32
      %dma_wait3A_12 = tpu.memref_slice %arg8[%mul3A_2, %dma_wait3A] : memref<10240x1xf32, #tpu.memory_space<vmem_shared>> -> memref<640x1xf32, #tpu.memory_space<vmem_shared>>
      %dma_wait3A_13 = arith.constant 0 : i32
      %dma_wait3A_14 = tpu.memref_slice %arg4[%mul3A_2, %dma_wait3A_13] : memref<10240x1xf32, #tpu.memory_space<hbm>> -> memref<640x1xf32, #tpu.memory_space<hbm>>
      tpu.wait_dma2 semaphore(%run_scoped3A : memref<!tpu.dma_semaphore, #tpu.memory_space<semaphore_mem>>) src(%dma_wait3A_14 : memref<640x1xf32, #tpu.memory_space<hbm>>) dst(%dma_wait3A_12 : memref<640x1xf32, #tpu.memory_space<vmem_shared>>)
      tpu.yield
    }) : () -> ()
    "tpu.region"() ({
      %run_scoped3A = tpu.sem_alloc : memref<!tpu.dma_semaphore, #tpu.memory_space<semaphore_mem>>
      %dma_start3A = arith.constant 0 : i32
      %dma_start3A_9 = arith.constant 0 : i32
      %dma_start3A_10 = tpu.memref_slice %arg2[%add3A, %dma_start3A, %dma_start3A_9] : memref<32x80x128xi32, #tpu.memory_space<hbm>> -> memref<1x80x128xi32, #tpu.memory_space<hbm>>
      %dma_start3A_11 = tpu.memref_squeeze %dma_start3A_10 : memref<1x80x128xi32, #tpu.memory_space<hbm>> -> memref<80x128xi32, #tpu.memory_space<hbm>>
      %dma_start3A_12 = arith.constant 0 : i32
      %dma_start3A_13 = arith.constant 0 : i32
      %dma_start3A_14 = tpu.memref_slice %arg2[%add3A, %dma_start3A_12, %dma_start3A_13] : memref<32x80x128xi32, #tpu.memory_space<hbm>> -> memref<1x80x128xi32, #tpu.memory_space<hbm>>
      %dma_start3A_15 = tpu.memref_squeeze %dma_start3A_14 : memref<1x80x128xi32, #tpu.memory_space<hbm>> -> memref<80x128xi32, #tpu.memory_space<hbm>>
      tpu.enqueue_dma source(%dma_start3A_15 : memref<80x128xi32, #tpu.memory_space<hbm>>) target(%arg6 : memref<80x128xi32, #tpu.memory_space<vmem>>) target_semaphore(%run_scoped3A : memref<!tpu.dma_semaphore, #tpu.memory_space<semaphore_mem>>)
      %dma_wait3A = arith.constant 0 : i32
      %dma_wait3A_16 = arith.constant 0 : i32
      %dma_wait3A_17 = tpu.memref_slice %arg2[%add3A, %dma_wait3A, %dma_wait3A_16] : memref<32x80x128xi32, #tpu.memory_space<hbm>> -> memref<1x80x128xi32, #tpu.memory_space<hbm>>
      %dma_wait3A_18 = tpu.memref_squeeze %dma_wait3A_17 : memref<1x80x128xi32, #tpu.memory_space<hbm>> -> memref<80x128xi32, #tpu.memory_space<hbm>>
      %dma_wait3A_19 = arith.constant 0 : i32
      %dma_wait3A_20 = arith.constant 0 : i32
      %dma_wait3A_21 = tpu.memref_slice %arg2[%add3A, %dma_wait3A_19, %dma_wait3A_20] : memref<32x80x128xi32, #tpu.memory_space<hbm>> -> memref<1x80x128xi32, #tpu.memory_space<hbm>>
      %dma_wait3A_22 = tpu.memref_squeeze %dma_wait3A_21 : memref<1x80x128xi32, #tpu.memory_space<hbm>> -> memref<80x128xi32, #tpu.memory_space<hbm>>
      tpu.wait_dma2 semaphore(%run_scoped3A : memref<!tpu.dma_semaphore, #tpu.memory_space<semaphore_mem>>) src(%dma_wait3A_22 : memref<80x128xi32, #tpu.memory_space<hbm>>) dst(%arg6 : memref<80x128xi32, #tpu.memory_space<vmem>>)
      tpu.yield
    }) : () -> ()
    %barrier3A = arith.constant 0 : index
    tpu.barrier barrier_id(%barrier3A)
    %scan3A = arith.constant 0 : i32
    %scan3A_3 = arith.constant 0 : i32
    %scan3A_4 = arith.constant 80 : i32
    %scan3A_5 = arith.addi %scan3A_3, %scan3A_4 : i32
    %scan3A_6 = arith.constant 1 : i32
    scf.for %scan3A_9 = %scan3A_3 to %scan3A_5 step %scan3A_6  : i32 {
      "tpu.region"() ({
        %run_scoped3A = tpu.sem_alloc : memref<!tpu.dma_semaphore, #tpu.memory_space<semaphore_mem>>
        %dma_start3A = arith.constant 0 : i32
        %dma_start3A_10 = tpu.memref_slice %arg6[%scan3A_9, %dma_start3A] : memref<80x128xi32, #tpu.memory_space<vmem>> -> memref<1x128xi32, #tpu.memory_space<vmem>>
        %dma_start3A_11 = tpu.memref_squeeze %dma_start3A_10 : memref<1x128xi32, #tpu.memory_space<vmem>> -> memref<128xi32, #tpu.memory_space<vmem>>
        %dma_start3A_12 = arith.constant 0 : i32
        %dma_start3A_13 = arith.constant 0 : i32
        %dma_start3A_14 = tpu.memref_slice %arg8[%dma_start3A_12, %dma_start3A_13] : memref<10240x1xf32, #tpu.memory_space<vmem_shared>> -> memref<10240x1xf32, #tpu.memory_space<vmem_shared>>
        tpu.enqueue_indirect_dma source(%arg7 : memref<128x1xf32, #tpu.memory_space<vmem>>) target(%dma_start3A_14 : memref<10240x1xf32, #tpu.memory_space<vmem_shared>>) offsets(%dma_start3A_11 : memref<128xi32, #tpu.memory_space<vmem>>) semaphore(%run_scoped3A : memref<!tpu.dma_semaphore, #tpu.memory_space<semaphore_mem>>) {add = true}
        %dma_wait3A = arith.constant 0 : i32
        %dma_wait3A_15 = tpu.memref_slice %arg6[%scan3A_9, %dma_wait3A] : memref<80x128xi32, #tpu.memory_space<vmem>> -> memref<1x128xi32, #tpu.memory_space<vmem>>
        %dma_wait3A_16 = tpu.memref_squeeze %dma_wait3A_15 : memref<1x128xi32, #tpu.memory_space<vmem>> -> memref<128xi32, #tpu.memory_space<vmem>>
        %dma_wait3A_17 = arith.constant 0 : i32
        %dma_wait3A_18 = arith.constant 0 : i32
        %dma_wait3A_19 = tpu.memref_slice %arg8[%dma_wait3A_17, %dma_wait3A_18] : memref<10240x1xf32, #tpu.memory_space<vmem_shared>> -> memref<10240x1xf32, #tpu.memory_space<vmem_shared>>
        tpu.wait_indirect_dma semaphore(%run_scoped3A : memref<!tpu.dma_semaphore, #tpu.memory_space<semaphore_mem>>) src(%arg7 : memref<128x1xf32, #tpu.memory_space<vmem>>) dst(%dma_wait3A_19 : memref<10240x1xf32, #tpu.memory_space<vmem_shared>>)
        tpu.yield
      }) : () -> ()
    }
    %scan3A_7 = arith.constant 80 : i32
    %barrier3A_8 = arith.constant 0 : index
    tpu.barrier barrier_id(%barrier3A_8)
    "tpu.region"() ({
      %run_scoped3A = tpu.sem_alloc : memref<!tpu.dma_semaphore, #tpu.memory_space<semaphore_mem>>
      %dma_start3A = arith.constant 0 : i32
      %dma_start3A_9 = tpu.memref_slice %arg5[%arg0, %mul3A_2, %dma_start3A] : memref<2x10240x1xf32, #tpu.memory_space<hbm>> -> memref<1x640x1xf32, #tpu.memory_space<hbm>>
      %dma_start3A_10 = tpu.memref_squeeze %dma_start3A_9 : memref<1x640x1xf32, #tpu.memory_space<hbm>> -> memref<640x1xf32, #tpu.memory_space<hbm>>
      %dma_start3A_11 = arith.constant 0 : i32
      %dma_start3A_12 = tpu.memref_slice %arg8[%mul3A_2, %dma_start3A_11] : memref<10240x1xf32, #tpu.memory_space<vmem_shared>> -> memref<640x1xf32, #tpu.memory_space<vmem_shared>>
      tpu.enqueue_dma source(%dma_start3A_12 : memref<640x1xf32, #tpu.memory_space<vmem_shared>>) target(%dma_start3A_10 : memref<640x1xf32, #tpu.memory_space<hbm>>) target_semaphore(%run_scoped3A : memref<!tpu.dma_semaphore, #tpu.memory_space<semaphore_mem>>)
      %dma_wait3A = arith.constant 0 : i32
      %dma_wait3A_13 = tpu.memref_slice %arg5[%arg0, %mul3A_2, %dma_wait3A] : memref<2x10240x1xf32, #tpu.memory_space<hbm>> -> memref<1x640x1xf32, #tpu.memory_space<hbm>>
      %dma_wait3A_14 = tpu.memref_squeeze %dma_wait3A_13 : memref<1x640x1xf32, #tpu.memory_space<hbm>> -> memref<640x1xf32, #tpu.memory_space<hbm>>
      %dma_wait3A_15 = arith.constant 0 : i32
      %dma_wait3A_16 = tpu.memref_slice %arg8[%mul3A_2, %dma_wait3A_15] : memref<10240x1xf32, #tpu.memory_space<vmem_shared>> -> memref<640x1xf32, #tpu.memory_space<vmem_shared>>
      tpu.wait_dma2 semaphore(%run_scoped3A : memref<!tpu.dma_semaphore, #tpu.memory_space<semaphore_mem>>) src(%dma_wait3A_16 : memref<640x1xf32, #tpu.memory_space<vmem_shared>>) dst(%dma_wait3A_14 : memref<640x1xf32, #tpu.memory_space<hbm>>)
      tpu.yield
    }) : () -> ()
    return
  }
}

#map = affine_map<(d0, d1) -> (0, 0)>
#map1 = affine_map<(d0, d1) -> (0, 0, 0)>
module attributes {stable_mosaic.version = 14 : i64} {
  func.func @agg(%arg0: i32, %arg1: i32, %arg2: memref<10000x16xf32, #tpu.memory_space<hbm>>, %arg3: memref<32x80x128xi32, #tpu.memory_space<hbm>>, %arg4: memref<32x80x128xi32, #tpu.memory_space<hbm>>, %arg5: memref<10240x16xf32, #tpu.memory_space<hbm>>, %arg6: memref<2x10240x16xf32, #tpu.memory_space<hbm>>, %arg7: memref<80x128xi32, #tpu.memory_space<vmem>>, %arg8: memref<80x128xi32, #tpu.memory_space<vmem>>, %arg9: memref<128x16xf32, #tpu.memory_space<vmem>>, %arg10: memref<10240x16xf32, #tpu.memory_space<vmem_shared>>) attributes {dimension_semantics = [#tpu.dimension_semantics<core_parallel>, #tpu.dimension_semantics<subcore_parallel>], iteration_bounds = array<i64: 2, 16>, scalar_prefetch = 0 : i64, scratch_operands = 4 : i64, tpu.core_type = #tpu.core_type<sc_vector_subcore>, window_params = [{transform_indices = #map}, {transform_indices = #map1}, {transform_indices = #map1}, {transform_indices = #map}, {transform_indices = #map1}]} {
    %mul3A = arith.constant 2 : i32
    %mul3A_0 = arith.muli %arg1, %mul3A : i32
    %add3A = arith.addi %mul3A_0, %arg0 : i32
    %mul3A_1 = arith.constant 640 : i32
    %mul3A_2 = arith.muli %arg1, %mul3A_1 : i32
    "tpu.region"() ({
      %run_scoped3A = tpu.sem_alloc : memref<!tpu.dma_semaphore, #tpu.memory_space<semaphore_mem>>
      %dma_start3A = arith.constant 0 : i32
      %dma_start3A_9 = tpu.memref_slice %arg10[%mul3A_2, %dma_start3A] : memref<10240x16xf32, #tpu.memory_space<vmem_shared>> -> memref<640x16xf32, #tpu.memory_space<vmem_shared>>
      %dma_start3A_10 = arith.constant 0 : i32
      %dma_start3A_11 = tpu.memref_slice %arg5[%mul3A_2, %dma_start3A_10] : memref<10240x16xf32, #tpu.memory_space<hbm>> -> memref<640x16xf32, #tpu.memory_space<hbm>>
      tpu.enqueue_dma source(%dma_start3A_11 : memref<640x16xf32, #tpu.memory_space<hbm>>) target(%dma_start3A_9 : memref<640x16xf32, #tpu.memory_space<vmem_shared>>) target_semaphore(%run_scoped3A : memref<!tpu.dma_semaphore, #tpu.memory_space<semaphore_mem>>)
      %dma_wait3A = arith.constant 0 : i32
      %dma_wait3A_12 = tpu.memref_slice %arg10[%mul3A_2, %dma_wait3A] : memref<10240x16xf32, #tpu.memory_space<vmem_shared>> -> memref<640x16xf32, #tpu.memory_space<vmem_shared>>
      %dma_wait3A_13 = arith.constant 0 : i32
      %dma_wait3A_14 = tpu.memref_slice %arg5[%mul3A_2, %dma_wait3A_13] : memref<10240x16xf32, #tpu.memory_space<hbm>> -> memref<640x16xf32, #tpu.memory_space<hbm>>
      tpu.wait_dma2 semaphore(%run_scoped3A : memref<!tpu.dma_semaphore, #tpu.memory_space<semaphore_mem>>) src(%dma_wait3A_14 : memref<640x16xf32, #tpu.memory_space<hbm>>) dst(%dma_wait3A_12 : memref<640x16xf32, #tpu.memory_space<vmem_shared>>)
      tpu.yield
    }) : () -> ()
    "tpu.region"() ({
      %run_scoped3A = tpu.sem_alloc : memref<!tpu.dma_semaphore, #tpu.memory_space<semaphore_mem>>
      %dma_start3A = arith.constant 0 : i32
      %dma_start3A_9 = arith.constant 0 : i32
      %dma_start3A_10 = tpu.memref_slice %arg3[%add3A, %dma_start3A, %dma_start3A_9] : memref<32x80x128xi32, #tpu.memory_space<hbm>> -> memref<1x80x128xi32, #tpu.memory_space<hbm>>
      %dma_start3A_11 = tpu.memref_squeeze %dma_start3A_10 : memref<1x80x128xi32, #tpu.memory_space<hbm>> -> memref<80x128xi32, #tpu.memory_space<hbm>>
      %dma_start3A_12 = arith.constant 0 : i32
      %dma_start3A_13 = arith.constant 0 : i32
      %dma_start3A_14 = tpu.memref_slice %arg3[%add3A, %dma_start3A_12, %dma_start3A_13] : memref<32x80x128xi32, #tpu.memory_space<hbm>> -> memref<1x80x128xi32, #tpu.memory_space<hbm>>
      %dma_start3A_15 = tpu.memref_squeeze %dma_start3A_14 : memref<1x80x128xi32, #tpu.memory_space<hbm>> -> memref<80x128xi32, #tpu.memory_space<hbm>>
      tpu.enqueue_dma source(%dma_start3A_15 : memref<80x128xi32, #tpu.memory_space<hbm>>) target(%arg7 : memref<80x128xi32, #tpu.memory_space<vmem>>) target_semaphore(%run_scoped3A : memref<!tpu.dma_semaphore, #tpu.memory_space<semaphore_mem>>)
      %dma_wait3A = arith.constant 0 : i32
      %dma_wait3A_16 = arith.constant 0 : i32
      %dma_wait3A_17 = tpu.memref_slice %arg3[%add3A, %dma_wait3A, %dma_wait3A_16] : memref<32x80x128xi32, #tpu.memory_space<hbm>> -> memref<1x80x128xi32, #tpu.memory_space<hbm>>
      %dma_wait3A_18 = tpu.memref_squeeze %dma_wait3A_17 : memref<1x80x128xi32, #tpu.memory_space<hbm>> -> memref<80x128xi32, #tpu.memory_space<hbm>>
      %dma_wait3A_19 = arith.constant 0 : i32
      %dma_wait3A_20 = arith.constant 0 : i32
      %dma_wait3A_21 = tpu.memref_slice %arg3[%add3A, %dma_wait3A_19, %dma_wait3A_20] : memref<32x80x128xi32, #tpu.memory_space<hbm>> -> memref<1x80x128xi32, #tpu.memory_space<hbm>>
      %dma_wait3A_22 = tpu.memref_squeeze %dma_wait3A_21 : memref<1x80x128xi32, #tpu.memory_space<hbm>> -> memref<80x128xi32, #tpu.memory_space<hbm>>
      tpu.wait_dma2 semaphore(%run_scoped3A : memref<!tpu.dma_semaphore, #tpu.memory_space<semaphore_mem>>) src(%dma_wait3A_22 : memref<80x128xi32, #tpu.memory_space<hbm>>) dst(%arg7 : memref<80x128xi32, #tpu.memory_space<vmem>>)
      tpu.yield
    }) : () -> ()
    "tpu.region"() ({
      %run_scoped3A = tpu.sem_alloc : memref<!tpu.dma_semaphore, #tpu.memory_space<semaphore_mem>>
      %dma_start3A = arith.constant 0 : i32
      %dma_start3A_9 = arith.constant 0 : i32
      %dma_start3A_10 = tpu.memref_slice %arg4[%add3A, %dma_start3A, %dma_start3A_9] : memref<32x80x128xi32, #tpu.memory_space<hbm>> -> memref<1x80x128xi32, #tpu.memory_space<hbm>>
      %dma_start3A_11 = tpu.memref_squeeze %dma_start3A_10 : memref<1x80x128xi32, #tpu.memory_space<hbm>> -> memref<80x128xi32, #tpu.memory_space<hbm>>
      %dma_start3A_12 = arith.constant 0 : i32
      %dma_start3A_13 = arith.constant 0 : i32
      %dma_start3A_14 = tpu.memref_slice %arg4[%add3A, %dma_start3A_12, %dma_start3A_13] : memref<32x80x128xi32, #tpu.memory_space<hbm>> -> memref<1x80x128xi32, #tpu.memory_space<hbm>>
      %dma_start3A_15 = tpu.memref_squeeze %dma_start3A_14 : memref<1x80x128xi32, #tpu.memory_space<hbm>> -> memref<80x128xi32, #tpu.memory_space<hbm>>
      tpu.enqueue_dma source(%dma_start3A_15 : memref<80x128xi32, #tpu.memory_space<hbm>>) target(%arg8 : memref<80x128xi32, #tpu.memory_space<vmem>>) target_semaphore(%run_scoped3A : memref<!tpu.dma_semaphore, #tpu.memory_space<semaphore_mem>>)
      %dma_wait3A = arith.constant 0 : i32
      %dma_wait3A_16 = arith.constant 0 : i32
      %dma_wait3A_17 = tpu.memref_slice %arg4[%add3A, %dma_wait3A, %dma_wait3A_16] : memref<32x80x128xi32, #tpu.memory_space<hbm>> -> memref<1x80x128xi32, #tpu.memory_space<hbm>>
      %dma_wait3A_18 = tpu.memref_squeeze %dma_wait3A_17 : memref<1x80x128xi32, #tpu.memory_space<hbm>> -> memref<80x128xi32, #tpu.memory_space<hbm>>
      %dma_wait3A_19 = arith.constant 0 : i32
      %dma_wait3A_20 = arith.constant 0 : i32
      %dma_wait3A_21 = tpu.memref_slice %arg4[%add3A, %dma_wait3A_19, %dma_wait3A_20] : memref<32x80x128xi32, #tpu.memory_space<hbm>> -> memref<1x80x128xi32, #tpu.memory_space<hbm>>
      %dma_wait3A_22 = tpu.memref_squeeze %dma_wait3A_21 : memref<1x80x128xi32, #tpu.memory_space<hbm>> -> memref<80x128xi32, #tpu.memory_space<hbm>>
      tpu.wait_dma2 semaphore(%run_scoped3A : memref<!tpu.dma_semaphore, #tpu.memory_space<semaphore_mem>>) src(%dma_wait3A_22 : memref<80x128xi32, #tpu.memory_space<hbm>>) dst(%arg8 : memref<80x128xi32, #tpu.memory_space<vmem>>)
      tpu.yield
    }) : () -> ()
    %barrier3A = arith.constant 0 : index
    tpu.barrier barrier_id(%barrier3A)
    %scan3A = arith.constant 0 : i32
    %scan3A_3 = arith.constant 0 : i32
    %scan3A_4 = arith.constant 80 : i32
    %scan3A_5 = arith.addi %scan3A_3, %scan3A_4 : i32
    %scan3A_6 = arith.constant 1 : i32
    scf.for %scan3A_9 = %scan3A_3 to %scan3A_5 step %scan3A_6  : i32 {
      "tpu.region"() ({
        %run_scoped3A = tpu.sem_alloc : memref<!tpu.dma_semaphore, #tpu.memory_space<semaphore_mem>>
        %dma_start3A = arith.constant 0 : i32
        %dma_start3A_10 = tpu.memref_slice %arg7[%scan3A_9, %dma_start3A] : memref<80x128xi32, #tpu.memory_space<vmem>> -> memref<1x128xi32, #tpu.memory_space<vmem>>
        %dma_start3A_11 = tpu.memref_squeeze %dma_start3A_10 : memref<1x128xi32, #tpu.memory_space<vmem>> -> memref<128xi32, #tpu.memory_space<vmem>>
        %dma_start3A_12 = arith.constant 0 : i32
        %dma_start3A_13 = arith.constant 0 : i32
        %dma_start3A_14 = tpu.memref_slice %arg2[%dma_start3A_12, %dma_start3A_13] : memref<10000x16xf32, #tpu.memory_space<hbm>> -> memref<10000x16xf32, #tpu.memory_space<hbm>>
        tpu.enqueue_indirect_dma source(%dma_start3A_14 : memref<10000x16xf32, #tpu.memory_space<hbm>>) target(%arg9 : memref<128x16xf32, #tpu.memory_space<vmem>>) offsets(%dma_start3A_11 : memref<128xi32, #tpu.memory_space<vmem>>) semaphore(%run_scoped3A : memref<!tpu.dma_semaphore, #tpu.memory_space<semaphore_mem>>)
        %dma_wait3A = arith.constant 0 : i32
        %dma_wait3A_15 = tpu.memref_slice %arg7[%scan3A_9, %dma_wait3A] : memref<80x128xi32, #tpu.memory_space<vmem>> -> memref<1x128xi32, #tpu.memory_space<vmem>>
        %dma_wait3A_16 = tpu.memref_squeeze %dma_wait3A_15 : memref<1x128xi32, #tpu.memory_space<vmem>> -> memref<128xi32, #tpu.memory_space<vmem>>
        %dma_wait3A_17 = arith.constant 0 : i32
        %dma_wait3A_18 = arith.constant 0 : i32
        %dma_wait3A_19 = tpu.memref_slice %arg2[%dma_wait3A_17, %dma_wait3A_18] : memref<10000x16xf32, #tpu.memory_space<hbm>> -> memref<10000x16xf32, #tpu.memory_space<hbm>>
        tpu.wait_indirect_dma semaphore(%run_scoped3A : memref<!tpu.dma_semaphore, #tpu.memory_space<semaphore_mem>>) src(%dma_wait3A_19 : memref<10000x16xf32, #tpu.memory_space<hbm>>) dst(%arg9 : memref<128x16xf32, #tpu.memory_space<vmem>>)
        tpu.yield
      }) : () -> ()
      "tpu.region"() ({
        %run_scoped3A = tpu.sem_alloc : memref<!tpu.dma_semaphore, #tpu.memory_space<semaphore_mem>>
        %dma_start3A = arith.constant 0 : i32
        %dma_start3A_10 = tpu.memref_slice %arg8[%scan3A_9, %dma_start3A] : memref<80x128xi32, #tpu.memory_space<vmem>> -> memref<1x128xi32, #tpu.memory_space<vmem>>
        %dma_start3A_11 = tpu.memref_squeeze %dma_start3A_10 : memref<1x128xi32, #tpu.memory_space<vmem>> -> memref<128xi32, #tpu.memory_space<vmem>>
        %dma_start3A_12 = arith.constant 0 : i32
        %dma_start3A_13 = arith.constant 0 : i32
        %dma_start3A_14 = tpu.memref_slice %arg10[%dma_start3A_12, %dma_start3A_13] : memref<10240x16xf32, #tpu.memory_space<vmem_shared>> -> memref<10240x16xf32, #tpu.memory_space<vmem_shared>>
        tpu.enqueue_indirect_dma source(%arg9 : memref<128x16xf32, #tpu.memory_space<vmem>>) target(%dma_start3A_14 : memref<10240x16xf32, #tpu.memory_space<vmem_shared>>) offsets(%dma_start3A_11 : memref<128xi32, #tpu.memory_space<vmem>>) semaphore(%run_scoped3A : memref<!tpu.dma_semaphore, #tpu.memory_space<semaphore_mem>>) {add = true}
        %dma_wait3A = arith.constant 0 : i32
        %dma_wait3A_15 = tpu.memref_slice %arg8[%scan3A_9, %dma_wait3A] : memref<80x128xi32, #tpu.memory_space<vmem>> -> memref<1x128xi32, #tpu.memory_space<vmem>>
        %dma_wait3A_16 = tpu.memref_squeeze %dma_wait3A_15 : memref<1x128xi32, #tpu.memory_space<vmem>> -> memref<128xi32, #tpu.memory_space<vmem>>
        %dma_wait3A_17 = arith.constant 0 : i32
        %dma_wait3A_18 = arith.constant 0 : i32
        %dma_wait3A_19 = tpu.memref_slice %arg10[%dma_wait3A_17, %dma_wait3A_18] : memref<10240x16xf32, #tpu.memory_space<vmem_shared>> -> memref<10240x16xf32, #tpu.memory_space<vmem_shared>>
        tpu.wait_indirect_dma semaphore(%run_scoped3A : memref<!tpu.dma_semaphore, #tpu.memory_space<semaphore_mem>>) src(%arg9 : memref<128x16xf32, #tpu.memory_space<vmem>>) dst(%dma_wait3A_19 : memref<10240x16xf32, #tpu.memory_space<vmem_shared>>)
        tpu.yield
      }) : () -> ()
    }
    %scan3A_7 = arith.constant 80 : i32
    %barrier3A_8 = arith.constant 0 : index
    tpu.barrier barrier_id(%barrier3A_8)
    "tpu.region"() ({
      %run_scoped3A = tpu.sem_alloc : memref<!tpu.dma_semaphore, #tpu.memory_space<semaphore_mem>>
      %dma_start3A = arith.constant 0 : i32
      %dma_start3A_9 = tpu.memref_slice %arg6[%arg0, %mul3A_2, %dma_start3A] : memref<2x10240x16xf32, #tpu.memory_space<hbm>> -> memref<1x640x16xf32, #tpu.memory_space<hbm>>
      %dma_start3A_10 = tpu.memref_squeeze %dma_start3A_9 : memref<1x640x16xf32, #tpu.memory_space<hbm>> -> memref<640x16xf32, #tpu.memory_space<hbm>>
      %dma_start3A_11 = arith.constant 0 : i32
      %dma_start3A_12 = tpu.memref_slice %arg10[%mul3A_2, %dma_start3A_11] : memref<10240x16xf32, #tpu.memory_space<vmem_shared>> -> memref<640x16xf32, #tpu.memory_space<vmem_shared>>
      tpu.enqueue_dma source(%dma_start3A_12 : memref<640x16xf32, #tpu.memory_space<vmem_shared>>) target(%dma_start3A_10 : memref<640x16xf32, #tpu.memory_space<hbm>>) target_semaphore(%run_scoped3A : memref<!tpu.dma_semaphore, #tpu.memory_space<semaphore_mem>>)
      %dma_wait3A = arith.constant 0 : i32
      %dma_wait3A_13 = tpu.memref_slice %arg6[%arg0, %mul3A_2, %dma_wait3A] : memref<2x10240x16xf32, #tpu.memory_space<hbm>> -> memref<1x640x16xf32, #tpu.memory_space<hbm>>
      %dma_wait3A_14 = tpu.memref_squeeze %dma_wait3A_13 : memref<1x640x16xf32, #tpu.memory_space<hbm>> -> memref<640x16xf32, #tpu.memory_space<hbm>>
      %dma_wait3A_15 = arith.constant 0 : i32
      %dma_wait3A_16 = tpu.memref_slice %arg10[%mul3A_2, %dma_wait3A_15] : memref<10240x16xf32, #tpu.memory_space<vmem_shared>> -> memref<640x16xf32, #tpu.memory_space<vmem_shared>>
      tpu.wait_dma2 semaphore(%run_scoped3A : memref<!tpu.dma_semaphore, #tpu.memory_space<semaphore_mem>>) src(%dma_wait3A_16 : memref<640x16xf32, #tpu.memory_space<vmem_shared>>) dst(%dma_wait3A_14 : memref<640x16xf32, #tpu.memory_space<hbm>>)
      tpu.yield
    }) : () -> ()
    return
  }
}

module attributes {stable_mosaic.version = 14 : i64} {
  func.func @_mm1_body(%arg0: i32, %arg1: memref<1000x128xf32, #tpu.memory_space<vmem>>, %arg2: memref<128x32xf32, #tpu.memory_space<vmem>>, %arg3: memref<2x1000x1xf32, #tpu.memory_space<vmem>>, %arg4: memref<1000x32xf32, #tpu.memory_space<vmem>>, %arg5: memref<1000x1xf32, #tpu.memory_space<vmem>>) attributes {dimension_semantics = [#tpu.dimension_semantics<arbitrary>], iteration_bounds = array<i64: 10>, scalar_prefetch = 0 : i64, scratch_operands = 0 : i64, tpu.core_type = #tpu.core_type<tc>, window_params = [{transform_indices = @transform_0, window_bounds = array<i64: 1000, 128>}, {pipeline_mode = #tpu.pipeline_mode<synchronous>, transform_indices = @transform_1, window_bounds = array<i64: 128, 32>}, {transform_indices = @transform_2, window_bounds = array<i64: 2, 1000, 1>}, {transform_indices = @transform_3, window_bounds = array<i64: 1000, 32>}, {transform_indices = @transform_4, window_bounds = array<i64: 1000, 1>}]} {
    %get3A = arith.constant 0 : index
    %get3A_0 = arith.constant 0 : index
    %get3A_1 = arith.constant 0 : index
    %get3A_2 = vector.load %arg3[%get3A, %get3A_0, %get3A_1] : memref<2x1000x1xf32, #tpu.memory_space<vmem>>, vector<1x1000x1xf32>
    %get3A_3 = vector.shape_cast %get3A_2 : vector<1x1000x1xf32> to vector<1000x1xf32>
    %get3A_4 = arith.constant 1 : index
    %get3A_5 = arith.constant 0 : index
    %get3A_6 = arith.constant 0 : index
    %get3A_7 = vector.load %arg3[%get3A_4, %get3A_5, %get3A_6] : memref<2x1000x1xf32, #tpu.memory_space<vmem>>, vector<1x1000x1xf32>
    %get3A_8 = vector.shape_cast %get3A_7 : vector<1x1000x1xf32> to vector<1000x1xf32>
    %add3A = arith.addf %get3A_3, %get3A_8 : vector<1000x1xf32>
    %add3A_9 = arith.constant 1.000000e+00 : f32
    %add3A_10 = vector.broadcast %add3A_9 : f32 to vector<1000x1xf32>
    %add3A_11 = arith.addf %add3A, %add3A_10 : vector<1000x1xf32>
    %rsqrt3A = math.rsqrt %add3A_11 : vector<1000x1xf32>
    %swap3A = arith.constant 0 : index
    %swap3A_12 = arith.constant 0 : index
    %swap3A_13 = vector.load %arg5[%swap3A, %swap3A_12] : memref<1000x1xf32, #tpu.memory_space<vmem>>, vector<1000x1xf32>
    tpu.vector_store %arg5[%swap3A, %swap3A_12], %rsqrt3A {strides = array<i32>} : memref<1000x1xf32, #tpu.memory_space<vmem>>, vector<1000x1xf32>,
    %get3A_14 = arith.constant 0 : index
    %get3A_15 = arith.constant 0 : index
    %get3A_16 = vector.load %arg1[%get3A_14, %get3A_15] : memref<1000x128xf32, #tpu.memory_space<vmem>>, vector<1000x128xf32>
    %get3A_17 = arith.constant 0 : index
    %get3A_18 = arith.constant 0 : index
    %get3A_19 = vector.load %arg2[%get3A_17, %get3A_18] : memref<128x32xf32, #tpu.memory_space<vmem>>, vector<128x32xf32>
    %dot_general3A = arith.constant dense<0.000000e+00> : vector<1000x32xf32>
    %dot_general3A_20 = tpu.matmul %get3A_16, %get3A_19, %dot_general3A {dimension_numbers = #tpu.dot_dimension_numbers<[1], [0], [0], [1], [0, 0, 1, 1], [], []>, transpose_lhs_hint = false} : vector<1000x128xf32>, vector<128x32xf32>, vector<1000x32xf32> -> vector<1000x32xf32>
    %mul3A = vector.broadcast %rsqrt3A : vector<1000x1xf32> to vector<1000x32xf32>
    %mul3A_21 = arith.mulf %dot_general3A_20, %mul3A : vector<1000x32xf32>
    %swap3A_22 = arith.constant 0 : index
    %swap3A_23 = arith.constant 0 : index
    %swap3A_24 = vector.load %arg4[%swap3A_22, %swap3A_23] : memref<1000x32xf32, #tpu.memory_space<vmem>>, vector<1000x32xf32>
    tpu.vector_store %arg4[%swap3A_22, %swap3A_23], %mul3A_21 {strides = array<i32>} : memref<1000x32xf32, #tpu.memory_space<vmem>>, vector<1000x32xf32>,
    return
  }
  func.func @transform_0(%arg0: i32) -> (i32, i32) {
    %c0_i32 = arith.constant 0 : i32
    %c0_i32_0 = arith.constant 0 : i32
    return %arg0, %c0_i32 : i32, i32
  }
  func.func @transform_1(%arg0: i32) -> (i32, i32) {
    %c0_i32 = arith.constant 0 : i32
    %c0_i32_0 = arith.constant 0 : i32
    %c0_i32_1 = arith.constant 0 : i32
    return %c0_i32, %c0_i32_0 : i32, i32
  }
  func.func @transform_2(%arg0: i32) -> (i32, i32, i32) {
    %c0_i32 = arith.constant 0 : i32
    %c0_i32_0 = arith.constant 0 : i32
    %c0_i32_1 = arith.constant 0 : i32
    return %c0_i32, %arg0, %c0_i32_0 : i32, i32, i32
  }
  func.func @transform_3(%arg0: i32) -> (i32, i32) {
    %c0_i32 = arith.constant 0 : i32
    %c0_i32_0 = arith.constant 0 : i32
    return %arg0, %c0_i32 : i32, i32
  }
  func.func @transform_4(%arg0: i32) -> (i32, i32) {
    %c0_i32 = arith.constant 0 : i32
    %c0_i32_0 = arith.constant 0 : i32
    return %arg0, %c0_i32 : i32, i32
  }
}

module attributes {stable_mosaic.version = 14 : i64} {
  func.func @_fin1_body(%arg0: i32, %arg1: memref<2x1000x32xf32, #tpu.memory_space<vmem>>, %arg2: memref<1000x32xf32, #tpu.memory_space<vmem>>, %arg3: memref<1000x1xf32, #tpu.memory_space<vmem>>, %arg4: memref<1x32xf32, #tpu.memory_space<vmem>>, %arg5: memref<32x16xf32, #tpu.memory_space<vmem>>, %arg6: memref<1000x16xf32, #tpu.memory_space<vmem>>) attributes {dimension_semantics = [#tpu.dimension_semantics<arbitrary>], iteration_bounds = array<i64: 10>, scalar_prefetch = 0 : i64, scratch_operands = 0 : i64, tpu.core_type = #tpu.core_type<tc>, window_params = [{transform_indices = @transform_0, window_bounds = array<i64: 2, 1000, 32>}, {transform_indices = @transform_1, window_bounds = array<i64: 1000, 32>}, {transform_indices = @transform_2, window_bounds = array<i64: 1000, 1>}, {pipeline_mode = #tpu.pipeline_mode<synchronous>, transform_indices = @transform_3, window_bounds = array<i64: 1, 32>}, {pipeline_mode = #tpu.pipeline_mode<synchronous>, transform_indices = @transform_4, window_bounds = array<i64: 32, 16>}, {transform_indices = @transform_5, window_bounds = array<i64: 1000, 16>}]} {
    %get3A = arith.constant 0 : index
    %get3A_0 = arith.constant 0 : index
    %get3A_1 = vector.load %arg3[%get3A, %get3A_0] : memref<1000x1xf32, #tpu.memory_space<vmem>>, vector<1000x1xf32>
    %get3A_2 = arith.constant 0 : index
    %get3A_3 = arith.constant 0 : index
    %get3A_4 = arith.constant 0 : index
    %get3A_5 = vector.load %arg1[%get3A_2, %get3A_3, %get3A_4] : memref<2x1000x32xf32, #tpu.memory_space<vmem>>, vector<1x1000x32xf32>
    %get3A_6 = vector.shape_cast %get3A_5 : vector<1x1000x32xf32> to vector<1000x32xf32>
    %get3A_7 = arith.constant 1 : index
    %get3A_8 = arith.constant 0 : index
    %get3A_9 = arith.constant 0 : index
    %get3A_10 = vector.load %arg1[%get3A_7, %get3A_8, %get3A_9] : memref<2x1000x32xf32, #tpu.memory_space<vmem>>, vector<1x1000x32xf32>
    %get3A_11 = vector.shape_cast %get3A_10 : vector<1x1000x32xf32> to vector<1000x32xf32>
    %add3A = arith.addf %get3A_6, %get3A_11 : vector<1000x32xf32>
    %get3A_12 = arith.constant 0 : index
    %get3A_13 = arith.constant 0 : index
    %get3A_14 = vector.load %arg2[%get3A_12, %get3A_13] : memref<1000x32xf32, #tpu.memory_space<vmem>>, vector<1000x32xf32>
    %add3A_15 = arith.addf %add3A, %get3A_14 : vector<1000x32xf32>
    %mul3A = vector.broadcast %get3A_1 : vector<1000x1xf32> to vector<1000x32xf32>
    %mul3A_16 = arith.mulf %add3A_15, %mul3A : vector<1000x32xf32>
    %get3A_17 = arith.constant 0 : index
    %get3A_18 = arith.constant 0 : index
    %get3A_19 = vector.load %arg4[%get3A_17, %get3A_18] : memref<1x32xf32, #tpu.memory_space<vmem>>, vector<1x32xf32>
    %add3A_20 = vector.broadcast %get3A_19 : vector<1x32xf32> to vector<1000x32xf32>
    %add3A_21 = arith.addf %mul3A_16, %add3A_20 : vector<1000x32xf32>
    %max3A = arith.constant 0.000000e+00 : f32
    %max3A_22 = vector.broadcast %max3A : f32 to vector<1000x32xf32>
    %max3A_23 = arith.maximumf %add3A_21, %max3A_22 : vector<1000x32xf32>
    %get3A_24 = arith.constant 0 : index
    %get3A_25 = arith.constant 0 : index
    %get3A_26 = vector.load %arg5[%get3A_24, %get3A_25] : memref<32x16xf32, #tpu.memory_space<vmem>>, vector<32x16xf32>
    %dot_general3A = arith.constant dense<0.000000e+00> : vector<1000x16xf32>
    %dot_general3A_27 = tpu.matmul %max3A_23, %get3A_26, %dot_general3A {dimension_numbers = #tpu.dot_dimension_numbers<[1], [0], [0], [1], [0, 0, 1, 1], [], []>, transpose_lhs_hint = false} : vector<1000x32xf32>, vector<32x16xf32>, vector<1000x16xf32> -> vector<1000x16xf32>
    %mul3A_28 = vector.broadcast %get3A_1 : vector<1000x1xf32> to vector<1000x16xf32>
    %mul3A_29 = arith.mulf %dot_general3A_27, %mul3A_28 : vector<1000x16xf32>
    %swap3A = arith.constant 0 : index
    %swap3A_30 = arith.constant 0 : index
    %swap3A_31 = vector.load %arg6[%swap3A, %swap3A_30] : memref<1000x16xf32, #tpu.memory_space<vmem>>, vector<1000x16xf32>
    tpu.vector_store %arg6[%swap3A, %swap3A_30], %mul3A_29 {strides = array<i32>} : memref<1000x16xf32, #tpu.memory_space<vmem>>, vector<1000x16xf32>,
    return
  }
  func.func @transform_0(%arg0: i32) -> (i32, i32, i32) {
    %c0_i32 = arith.constant 0 : i32
    %c0_i32_0 = arith.constant 0 : i32
    %c0_i32_1 = arith.constant 0 : i32
    return %c0_i32, %arg0, %c0_i32_0 : i32, i32, i32
  }
  func.func @transform_1(%arg0: i32) -> (i32, i32) {
    %c0_i32 = arith.constant 0 : i32
    %c0_i32_0 = arith.constant 0 : i32
    return %arg0, %c0_i32 : i32, i32
  }
  func.func @transform_2(%arg0: i32) -> (i32, i32) {
    %c0_i32 = arith.constant 0 : i32
    %c0_i32_0 = arith.constant 0 : i32
    return %arg0, %c0_i32 : i32, i32
  }
  func.func @transform_3(%arg0: i32) -> (i32, i32) {
    %c0_i32 = arith.constant 0 : i32
    %c0_i32_0 = arith.constant 0 : i32
    %c0_i32_1 = arith.constant 0 : i32
    return %c0_i32, %c0_i32_0 : i32, i32
  }
  func.func @transform_4(%arg0: i32) -> (i32, i32) {
    %c0_i32 = arith.constant 0 : i32
    %c0_i32_0 = arith.constant 0 : i32
    %c0_i32_1 = arith.constant 0 : i32
    return %c0_i32, %c0_i32_0 : i32, i32
  }
  func.func @transform_5(%arg0: i32) -> (i32, i32) {
    %c0_i32 = arith.constant 0 : i32
    %c0_i32_0 = arith.constant 0 : i32
    return %arg0, %c0_i32 : i32, i32
  }
}

module attributes {stable_mosaic.version = 14 : i64} {
  func.func @_fin2_body(%arg0: i32, %arg1: memref<2x1000x16xf32, #tpu.memory_space<vmem>>, %arg2: memref<1000x16xf32, #tpu.memory_space<vmem>>, %arg3: memref<1000x1xf32, #tpu.memory_space<vmem>>, %arg4: memref<1x16xf32, #tpu.memory_space<vmem>>, %arg5: memref<1000x16xf32, #tpu.memory_space<vmem>>) attributes {dimension_semantics = [#tpu.dimension_semantics<arbitrary>], iteration_bounds = array<i64: 10>, scalar_prefetch = 0 : i64, scratch_operands = 0 : i64, tpu.core_type = #tpu.core_type<tc>, window_params = [{transform_indices = @transform_0, window_bounds = array<i64: 2, 1000, 16>}, {transform_indices = @transform_1, window_bounds = array<i64: 1000, 16>}, {transform_indices = @transform_2, window_bounds = array<i64: 1000, 1>}, {pipeline_mode = #tpu.pipeline_mode<synchronous>, transform_indices = @transform_3, window_bounds = array<i64: 1, 16>}, {transform_indices = @transform_4, window_bounds = array<i64: 1000, 16>}]} {
    %get3A = arith.constant 0 : index
    %get3A_0 = arith.constant 0 : index
    %get3A_1 = arith.constant 0 : index
    %get3A_2 = vector.load %arg1[%get3A, %get3A_0, %get3A_1] : memref<2x1000x16xf32, #tpu.memory_space<vmem>>, vector<1x1000x16xf32>
    %get3A_3 = vector.shape_cast %get3A_2 : vector<1x1000x16xf32> to vector<1000x16xf32>
    %get3A_4 = arith.constant 1 : index
    %get3A_5 = arith.constant 0 : index
    %get3A_6 = arith.constant 0 : index
    %get3A_7 = vector.load %arg1[%get3A_4, %get3A_5, %get3A_6] : memref<2x1000x16xf32, #tpu.memory_space<vmem>>, vector<1x1000x16xf32>
    %get3A_8 = vector.shape_cast %get3A_7 : vector<1x1000x16xf32> to vector<1000x16xf32>
    %add3A = arith.addf %get3A_3, %get3A_8 : vector<1000x16xf32>
    %get3A_9 = arith.constant 0 : index
    %get3A_10 = arith.constant 0 : index
    %get3A_11 = vector.load %arg2[%get3A_9, %get3A_10] : memref<1000x16xf32, #tpu.memory_space<vmem>>, vector<1000x16xf32>
    %add3A_12 = arith.addf %add3A, %get3A_11 : vector<1000x16xf32>
    %get3A_13 = arith.constant 0 : index
    %get3A_14 = arith.constant 0 : index
    %get3A_15 = vector.load %arg3[%get3A_13, %get3A_14] : memref<1000x1xf32, #tpu.memory_space<vmem>>, vector<1000x1xf32>
    %mul3A = vector.broadcast %get3A_15 : vector<1000x1xf32> to vector<1000x16xf32>
    %mul3A_16 = arith.mulf %add3A_12, %mul3A : vector<1000x16xf32>
    %get3A_17 = arith.constant 0 : index
    %get3A_18 = arith.constant 0 : index
    %get3A_19 = vector.load %arg4[%get3A_17, %get3A_18] : memref<1x16xf32, #tpu.memory_space<vmem>>, vector<1x16xf32>
    %add3A_20 = vector.broadcast %get3A_19 : vector<1x16xf32> to vector<1000x16xf32>
    %add3A_21 = arith.addf %mul3A_16, %add3A_20 : vector<1000x16xf32>
    %reduce_max3A = arith.constant dense<0xFF800000> : vector<1000xf32>
    %reduce_max3A_22 = vector.multi_reduction <maximumf>, %add3A_21, %reduce_max3A [1] : vector<1000x16xf32> to vector<1000xf32>
    %broadcast_in_dim3A = vector.shape_cast %reduce_max3A_22 : vector<1000xf32> to vector<1000x1xf32>
    %sub3A = vector.broadcast %broadcast_in_dim3A : vector<1000x1xf32> to vector<1000x16xf32>
    %sub3A_23 = arith.subf %add3A_21, %sub3A : vector<1000x16xf32>
    %exp3A = math.exp %sub3A_23 : vector<1000x16xf32>
    %reduce_sum3A = arith.constant dense<0.000000e+00> : vector<1000xf32>
    %reduce_sum3A_24 = vector.multi_reduction <add>, %exp3A, %reduce_sum3A [1] : vector<1000x16xf32> to vector<1000xf32>
    %broadcast_in_dim3A_25 = vector.shape_cast %reduce_sum3A_24 : vector<1000xf32> to vector<1000x1xf32>
    %log3A = math.log %broadcast_in_dim3A_25 : vector<1000x1xf32>
    %sub3A_26 = vector.broadcast %log3A : vector<1000x1xf32> to vector<1000x16xf32>
    %sub3A_27 = arith.subf %sub3A_23, %sub3A_26 : vector<1000x16xf32>
    %swap3A = arith.constant 0 : index
    %swap3A_28 = arith.constant 0 : index
    %swap3A_29 = vector.load %arg5[%swap3A, %swap3A_28] : memref<1000x16xf32, #tpu.memory_space<vmem>>, vector<1000x16xf32>
    tpu.vector_store %arg5[%swap3A, %swap3A_28], %sub3A_27 {strides = array<i32>} : memref<1000x16xf32, #tpu.memory_space<vmem>>, vector<1000x16xf32>,
    return
  }
  func.func @transform_0(%arg0: i32) -> (i32, i32, i32) {
    %c0_i32 = arith.constant 0 : i32
    %c0_i32_0 = arith.constant 0 : i32
    %c0_i32_1 = arith.constant 0 : i32
    return %c0_i32, %arg0, %c0_i32_0 : i32, i32, i32
  }
  func.func @transform_1(%arg0: i32) -> (i32, i32) {
    %c0_i32 = arith.constant 0 : i32
    %c0_i32_0 = arith.constant 0 : i32
    return %arg0, %c0_i32 : i32, i32
  }
  func.func @transform_2(%arg0: i32) -> (i32, i32) {
    %c0_i32 = arith.constant 0 : i32
    %c0_i32_0 = arith.constant 0 : i32
    return %arg0, %c0_i32 : i32, i32
  }
  func.func @transform_3(%arg0: i32) -> (i32, i32) {
    %c0_i32 = arith.constant 0 : i32
    %c0_i32_0 = arith.constant 0 : i32
    %c0_i32_1 = arith.constant 0 : i32
    return %c0_i32, %c0_i32_0 : i32, i32
  }
  func.func @transform_4(%arg0: i32) -> (i32, i32) {
    %c0_i32 = arith.constant 0 : i32
    %c0_i32_0 = arith.constant 0 : i32
    return %arg0, %c0_i32 : i32, i32
  }
}

</mosaic_0001>

<sc_bundles>
// kernel: kernel.11.cloned.1.call-start
scs
__scs_entry_jumppad:
0x0: {  	(pc) =	sbr.rel $0x88, $3  }
0x1: {  	(tag) =	ssettag $0x0;
	lr =	simm.s32 $0x1  }
0x2: {  	[smem:$0x3F9B] =	sst lr;
	_ =	strace $0xD0000000  }
0x3: {  	_ = 	snop  }
0x4: {  	_ = 	snop  }
0x5: {  	_ = 	snop  }
0x6: {  	_ = 	snop  }
0x7: {  	_ = 	snop  }
__scs_overlays_trampoline_lowered:
0x8: {  	[smem:$0x3FAA] =	sst s0  }
0x9: {  	[smem:$0x3FAB] =	sst s1  }
0xa: {  	[smem:$0x3FAC] =	sst s2  }
0xb: {  	[smem:$0x3FAD] =	sst s3  }
0xc: {  	[smem:$0x3FAE] =	sst s4  }
0xd: {  	[smem:$0x3FAF] =	sst s5  }
0xe: {  	[smem:$0x3FB0] =	sst s6  }
0xf: {  	[smem:$0x3FB1] =	sst s7  }
0x10: {  	[smem:$0x3FB2] =	sst s8  }
0x11: {  	[smem:$0x3FB3] =	sst s9;
	s0 =	simm.s32 @!p0 $0x0  }
0x12: {  	s1 =	sld [smem:$0x3F99];
	s0 =	simm.s32 @p0 $0x1  }
0x13: {  	[smem:$0x3FB4] =	sst s0;
	s0 =	simm.s32 @!p1 $0x0  }
0x14: {  	s2 =	sld [smem:$0x3F98];
	s0 =	simm.s32 @p1 $0x1  }
0x15: {  	[smem:$0x3FB5] =	sst s0;
	s0 =	simm.s32 @!p2 $0x0  }
0x16: {  	s3 =	sld [smem:$0x3FDB];
	s0 =	simm.s32 @p2 $0x1  }
0x17: {  	s4 =	simm.s32 $0x1BF5;
	[smem:$0x3FB7] =	sst s0  }
0x18: {  	s0 =	sld [smem:$0x3F9A];
	_ =	swait.ge [sflag:s4], $0x0  }
0x19: {  	s7 =	sld [smem:$0x3F9B]  }
0x1a: {  	s8 =	sadd.s32 $0xFFFFE003, lr  }
0x1b: {  	s9 =	sadd.s32 $0xFFFFFEF7, lr;
	s5 =	simm.s32 $0xFFFFFFFF;
	p2 =	slt.u32 s8, $0xFFFFF086  }
0x1c: {  	p1 =	slt.u32 s9, $0xF7A;
	s5 =	simm.s32 @!p2 $0x0  }
0x1d: {  	s5 =	simm.s32 @p1 $0x1;
	p0 =	seq.s32 s7, s2  }
0x1e: {  	s7 =	smul.u32 @!p0 $0xF7A, s2;
	p2 =	seq.s32 @!p0 s5, $0x0  }
0x1f: {  	s9 =	smul.u32 $0xF7A, s1;
	s8 =	simm.s32 @!p0 $0x1BF5;
	p2 =	por !p2, p0  }
0x20: {  	[sflag:s8] =	ssyncset.s32 @!p0 $0xFFFFF086;
	s6 =	sadd.s32 @!p0 s3, s7;
	s7 =	simm.s32 @!p0 $0x108  }
0x21: {  	s3 =	sadd.s32 s3, s9;
	s6 =	sadd.s32 @!p0 $0x88, s6;
	s7 =	simm.s32 @p2 $0x1082  }
0x22: {  	[simem:s7], [sflag:s8] =	dma.local @!p0 [hbm:s6], $0xF7A  }
0x23: {  	s9 =	sor.u32 $0xD0000000, s2;
	s6 =	simm.s32 $0x108;
	_ =	swait.ge @!p0 [sflag:s8], $0x0  }
0x24: {  	s3 =	sadd.s32 $0x88, s3;
	s6 =	simm.s32 @!p1 $0x1082;
	[sflag:s4] =	ssyncset.s32 $0xFFFFF086  }
0x25: {  	[simem:s6], [sflag:s4] =	dma.local [hbm:s3], $0xF7A  }
0x26: {  	[smem:$0x3F9B] =	sst s1;
	(tag) =	ssettag s2;
	_ =	strace s9  }
0x27: {  	s1 =	sld [smem:$0x3FAB]  }
0x28: {  	s2 =	sld [smem:$0x3FAC]  }
0x29: {  	s4 =	sld [smem:$0x3FAE]  }
0x2a: {  	p0 =	seq.s32 s5, $0x0;
	s5 =	sld [smem:$0x3FAF]  }
0x2b: {  	s6 =	sld [smem:$0x3FB0]  }
0x2c: {  	s7 =	sld [smem:$0x3FB1]  }
0x2d: {  	s3 =	simm.s32 $0x108;
	s8 =	sld [smem:$0x3FB2]  }
0x2e: {  	s3 =	simm.s32 @!p0 $0x1082;
	s9 =	sld [smem:$0x3FB3]  }
0x2f: {  	lr =	sadd.s32 s0, s3;
	s0 =	sld [smem:$0x3FAA]  }
0x30: {  	s3 =	sld [smem:$0x3FAD]  }
0x31: {  	[smem:$0x3FB6] =	sst s10  }
0x32: {  	s10 =	sld [smem:$0x3FB4];
	_ =	sdelay $0x3  }
0x33: {  	p0 =	seq.s32 s10, $0x1;
	s10 =	sld [smem:$0x3FB6];
	_ =	sdelay $0x3  }
0x34: {  	[smem:$0x3FB6] =	sst s10  }
0x35: {  	s10 =	sld [smem:$0x3FB5];
	_ =	sdelay $0x3  }
0x36: {  	p1 =	seq.s32 s10, $0x1;
	s10 =	sld [smem:$0x3FB6];
	_ =	sdelay $0x3  }
0x37: {  	[smem:$0x3FB6] =	sst s10  }
0x38: {  	s10 =	sld [smem:$0x3FB7]  }
0x39: {  	_ = 	snop;
	(pc) =	sbr.ind lr, $3  }
0x3a: {  	_ = 	snop  }
0x3b: {  	_ = 	snop  }
0x3c: {  	p2 =	seq.s32 s10, $0x1;
	s10 =	sld [smem:$0x3FB6]  }
0x3d: {  	_ =	shalt  }
0x3e: {  	_ =	shalt  }
0x3f: {  	_ =	shalt  }
0x40: {  	_ =	shalt  }
0x41: {  	_ =	shalt  }
0x42: {  	_ =	shalt  }
0x43: {  	_ =	shalt  }
0x44: {  	_ =	shalt  }
0x45: {  	_ =	shalt  }
0x46: {  	_ =	shalt  }
0x47: {  	_ =	shalt  }
0x48: {  	_ =	shalt  }
0x49: {  	_ =	shalt  }
0x4a: {  	_ =	shalt  }
0x4b: {  	_ =	shalt  }
0x4c: {  	_ =	shalt  }
0x4d: {  	_ =	shalt  }
0x4e: {  	_ =	shalt  }
0x4f: {  	_ =	shalt  }
0x50: {  	_ =	shalt  }
0x51: {  	_ =	shalt  }
0x52: {  	_ =	shalt  }
0x53: {  	_ =	shalt  }
0x54: {  	_ =	shalt  }
0x55: {  	_ =	shalt  }
0x56: {  	_ =	shalt  }
0x57: {  	_ =	shalt  }
0x58: {  	_ =	shalt  }
0x59: {  	_ =	shalt  }
0x5a: {  	_ =	shalt  }
0x5b: {  	_ =	shalt  }
0x5c: {  	_ =	shalt  }
0x5d: {  	_ =	shalt  }
0x5e: {  	_ =	shalt  }
0x5f: {  	_ =	shalt  }
0x60: {  	_ =	shalt  }
0x61: {  	_ =	shalt  }
0x62: {  	_ =	shalt  }
0x63: {  	_ =	shalt  }
0x64: {  	_ =	shalt  }
0x65: {  	_ =	shalt  }
0x66: {  	_ =	shalt  }
0x67: {  	_ =	shalt  }
0x68: {  	_ =	shalt  }
0x69: {  	_ =	shalt  }
0x6a: {  	_ =	shalt  }
0x6b: {  	_ =	shalt  }
0x6c: {  	_ =	shalt  }
0x6d: {  	_ =	shalt  }
0x6e: {  	_ =	shalt  }
0x6f: {  	_ =	shalt  }
0x70: {  	_ =	shalt  }
0x71: {  	_ =	shalt  }
0x72: {  	_ =	shalt  }
0x73: {  	_ =	shalt  }
0x74: {  	_ =	shalt  }
0x75: {  	_ =	shalt  }
0x76: {  	_ =	shalt  }
0x77: {  	_ =	shalt  }
0x78: {  	_ =	shalt  }
0x79: {  	_ =	shalt  }
0x7a: {  	_ =	shalt  }
0x7b: {  	_ =	shalt  }
0x7c: {  	_ =	shalt  }
0x7d: {  	_ =	shalt  }
0x7e: {  	_ =	shalt  }
0x7f: {  	_ =	shalt  }
0x80: {  	_ =	shalt  }
0x81: {  	_ =	shalt  }
0x82: {  	_ =	shalt  }
0x83: {  	_ =	shalt  }
0x84: {  	_ =	shalt  }
0x85: {  	_ =	shalt  }
0x86: {  	_ =	shalt  }
0x87: {  	_ =	shalt  }
.Lfunc_end0:
.L_simem_size_0:
called_computation.1_lowered:
.L_overlay_start_0:
0x88: {  	s2 =	sld [smem:$0x3FD9]  }
0x89: {  	s3 =	sld [smem:$0x3FFE];
	_ =	sdelay $0x1  }
0x8a: {  	s1 =	srdreg.scid  }
0x8b: {  	s0 =	sand.u32 $0x1, s1  }
0x8c: {  	s16 =	sshll.u32 s0, $0xA;
	s2 =	sadd.s32 s3, s2  }
0x8d: {  	s2 =	sadd.s32 s2, s16  }
0x8e: {  	[smem:$0x3FC2] =	sst s2  }
0x8f: {  	_ = 	snop  }
0x90: {  	(tm) =	ssettm $0x1  }
0x91: {  	s17 =	sld [smem:$0x3FFB];
	_ =	sdelay $0x3  }
0x92: {  	_ =	strace s17  }
0x93: {  	s2 =	sld [smem:$0x3FFC];
	_ =	sdelay $0x3  }
0x94: {  	_ =	strace s2  }
0x95: {  	s2 =	sld [smem:$0x3FFD];
	_ =	sdelay $0x3  }
0x96: {  	_ =	strace s2  }
0x97: {  	_ =	strace $0x8FFFFFFF  }
0x98: {  	s18 =	sld [smem:$0x3FDB];
	_ =	sdelay $0x1  }
0x99: {  	s19 =	simm.s32 $_scs_section_size  }
0x9a: {  	s4 =	simm.s32 $_size__tile_overlayer_lowered;
	s5 =	simm.s32 $_tile_overlayer_lowered  }
0x9b: {  	s22 =	simm.s32 $0x1BFF;
	s21 =	sshll.u32 s5, $0x1;
	s2 =	sadd.s32 s19, s18  }
0x9c: {  	s6 =	simm.s32 $0x0;
	s20 =	sshll.u32 s4, $0x1;
	s4 =	sadd.s32 s21, s2  }
0x9d: {  	[timem:s6], [sflag:s22] =	dma.local [hbm:s4], s20  }
0x9e: {  	_ =	swait.ge [sflag:s22], s20  }
0x9f: {  	s3 =	ssub.s32 $0x0, s20;
	[sflag:s22] =	ssyncset.done $0x0  }
0xa0: {  	[sflag:s22] =	ssyncadd.s32 s3;
	_ =	sdelay $0x1  }
0xa1: {  	s23 =	simm.s32 $0x1B8B  }
0xa2: {  	_ =	swait.ge [sflag:s23], $0x1  }
0xa3: {  	[sflag:s23] =	ssyncset.done $0x0  }
0xa4: {  	s25 =	simm.s32 $0x1B8E;
	s24 =	sld [smem:$0x3FFE];
	[sflag:s23] =	ssyncadd.s32 $0xFFFFFFFF  }
0xa5: {  	s26 =	simm.s32 $execute0_lowered;
	[smem:$0x3FD2] =	sst s25  }
0xa6: {  	s4 =	sshll.u32 s26, $0x1;
	_ =	strace $0x80000049;
	[dreg:$0x1] =	wrdreg $0xFFFFFFFF  }
0xa7: {  	s28 =	simm.s32 $_size_execute0_lowered;
	s2 =	sadd.s32 s2, s4;
	[dreg:$0x0] =	wrdreg $0x0  }
0xa8: {  	s4 =	sshll.u32 s28, $0x1;
	[dreg:$0x2] =	wrdreg s2  }
0xa9: {  	[dreg:$0x3] =	wrdreg s4  }
0xaa: {  	[dreg:$0x4] =	wrdreg $0xC0  }
0xab: {  	_ =	task [dreg:s6], $0x5FFFF  }
0xac: {  	[dreg:$0x1] =	wrdreg $0xFFFFFFFF  }
0xad: {  	[dreg:$0x0] =	wrdreg $0x60  }
0xae: {  	[dreg:$0x2] =	wrdreg s24  }
0xaf: {  	[dreg:$0x3] =	wrdreg $0x60000  }
0xb0: {  	[dreg:$0x4] =	wrdreg $0x9  }
0xb1: {  	_ =	task.clear_ibuf [dreg:s6], $0x5FFFF;
	_ =	strace $0x90000049  }
0xb2: {  	s29 =	simm.s32 $0x9;
	_ =	strace $0x8000004B  }
0xb3: {  	_ =	swait.ge [sflag:s29], $0x1  }
0xb4: {  	[sflag:s29] =	ssyncadd.s32 $0xFFFFFFFF  }
0xb5: {  	_ =	strace $0x9000004B  }
0xb6: {  	_ =	sfence  }
0xb7: {  	s30 =	sld [smem:$0x0];
	_ =	sdelay $0x2  }
0xb8: {  	s31 =	sshll.u32 s1, $0xD;
	s1 =	sshrl.u32 s1, $0x2  }
0xb9: {  	s3 =	sand.u32 $0x4000, s31;
	s1 =	sadd.s32 s1, s30  }
0xba: {  	s0 =	sor.u32 s3, s0;
	s1 =	sshll.u32 s1, $0x11  }
0xbb: {  	s0 =	sor.u32 s1, s0  }
0xbc: {  	s0 =	sadd.s32 $0x8F2B, s0  }
0xbd: {  	[sflag:s0] =	ssyncadd.remote.s32 $0x1  }
0xbe: {  	_ =	sfence.sel $0xFFFF  }
0xbf: {  	[dreg:$0x0] =	wrdreg $0xFFFFFFFF;
	(pc) =	sbr.abs _section_cstart, $3  }
0xc0: {  	[dreg:$0x1] =	wrdreg $0xFFFFFFFF  }
0xc1: {  	_ =	task.clear_ibuf [dreg:s6], $0x2FFFF;
	_ =	strace $0x9FFFFFFF  }
0xc2: {  	(tm) =	ssettm $0x7FFFFFFF  }
0xc3: {  	_ =	shalt  }
tec
execute0_lowered:
.L_overlay_start_1:
0x0: {  	(tag) =	ssettag $0x1  }
0x1: {  	s1 =	srdreg.scid;
	s6 =	rddreg [dreg:$0x0]  }
0x2: {  	s0 =	stileid.u32;
	s2 =	rddreg [dreg:$0x1];
	s3 =	simm.s32 $0x0  }
0x3: {  	s14 =	simm.s32 $0x80;
	s15 =	simm.s32 $0x5000;
	s16 =	simm.s32 $0x0  }
0x4: {  	s5 =	sand.u32 $0x1, s1;
	s26 =	sshll.u32 s0, $0x1;
	s8 =	smul.u32 $0x5000, s0  }
0x5: {  	[smem:$0x7FF] =	sst s3;
	s4 =	sadd.s32 $0x15A00, s6;
	s31 =	sshll.u32 s0, $0x6  }
0x6: {  	s1 =	sor.u32 s5, s26;
	s9 =	smul.u32 $0x50000, s5;
	s5 =	ssub.s32 $0x2, s5  }
0x7: {  	s7 =	smul.u32 $0x500, s1;
	s1 =	rddreg [dreg:$0x2];
	_ =	strace $0x8000004A  }
0x8: {  	s29 =	sshrl.u32 s8, $0x3;
	s30 =	sshrl.u32 s5, $0x1;
	s13 =	sadd.s32 s8, s2  }
0x9: {  	s28 =	sadd.s32 s8, s9;
	s9 =	sadd.s32 s29, s6;
	s12 =	ssub.s32 s5, s30  }
0xa: {  	s10 =	sadd.s32 s7, s6;
	s7 =	sshrl.u32 s28, $0x3;
	s5 =	sadd.s32 $0x1F800, s9  }
0xb: {  	s11 =	sadd.s32 s7, s6;
	s6 =	sor.u32 $0x1C01, s31;
	s7 =	sadd.s32 $0xBA00, s10  }
0xc: {  	s8 =	sadd.s32 $0x1A00, s10;
	s10 =	smax.u32 s12, $0x1;
	s12 =	simm.s32 $0x1  }
0xd: {  	s9 =	sadd.s32 $0x29800, s11;
	s11 =	sshrl.u32 s13, $0x3;
	s13 =	simm.s32 $0x2800  }
.LBB2_1:
0xe: {  	[spmem:s11], [sflag:s6] =	dma.local [hbm:s5], $0xA00  }
0xf: {  	_ =	swait.ge [sflag:s12], $0xA00  }
0x10: {  	[sflag:s12] =	ssyncset.done $0x0  }
0x11: {  	[sflag:s12] =	ssyncadd.s32 $0xFFFFF600  }
0x12: {  	[tilespmem:s3], [sflag:$0x1] =	stream.linear.gather [hbm4b:s7+s3], $0x2800, $0x38;
	[tilespmem:$0xB000] =	vst v63  }
0x13: {  	_ =	swait.ge [sflag:s12], $0x2800  }
0x14: {  	[sflag:s12] =	ssyncset.done $0x0  }
0x15: {  	[sflag:s12] =	ssyncadd.s32 $0xFFFFD800  }
0x16: {  	[tilespmem:s13], [sflag:$0x1] =	stream.linear.gather [hbm4b:s8+s3], $0x2800, $0x38;
	[tilespmem:$0xB000] =	vst v63  }
0x17: {  	_ =	swait.ge [sflag:s12], $0x2800  }
0x18: {  	[sflag:s12] =	ssyncset.done $0x0  }
0x19: {  	[sflag:s12] =	ssyncadd.s32 $0xFFFFD800  }
0x1a: {  	s17 =	simm.s32 $0x0;
	[bflag:$0x0] =	sbarrier.arrive $0xFFFF  }
0x1b: {  	[tilespmem:s15], [sflag:$0x1] =	stream.indirect.gather [hbm4b:s4+s14], $0x20, s17, s14, $0xb8;
	[tilespmem:$0xB000] =	vst v63  }
0x1c: {  	_ =	swait.ge [sflag:s12], $0x1000  }
0x1d: {  	[sflag:s12] =	ssyncset.done $0x0  }
0x1e: {  	s31 =	simm.s32 $0x2800;
	[sflag:s12] =	ssyncadd.s32 $0xFFFFF000  }
0x1f: {  	[spmem:s2] =	stream.indirect.scatter.add.f32 [tilespmem:s15], [sflag:$0x1], $0x20, s31, s14, $0xb8;
	[tilespmem:$0xB000] =	vst v63  }
0x20: {  	_ =	swait.ge [sflag:s12], $0x1000  }
0x21: {  	s18 =	simm.s32 $0x400;
	s17 =	simm.s32 $0x200;
	[sflag:s12] =	ssyncset.done $0x0  }
.LBB2_2:
0x22: {  	s19 =	sshra.s32 s17, $0x2  }
0x23: {  	[sflag:s12] =	ssyncadd.s32 $0xFFFFF000;
	s17 =	smov.u32 s18;
	s20 =	sadd.s32 $0x200, s18  }
0x24: {  	[tilespmem:s15], [sflag:$0x1] =	stream.indirect.gather [hbm4b:s4+s14], $0x20, s19, s14, $0xb8;
	[tilespmem:$0xB000] =	vst v63  }
0x25: {  	p0 =	sne.s32 s18, $0x9E00;
	_ =	swait.ge [sflag:s12], $0x1000  }
.Ltmp0:
0x26: {  	[sflag:s12] =	ssyncset.done $0x0;
	(pc) =	sbr.rel @p0 .LBB2_2-.Ltmp0, $4  }
0x27: {  	s18 =	sadd.s32 $0x2800, s19;
	[sflag:s12] =	ssyncadd.s32 $0xFFFFF000  }
0x28: {  	[spmem:s2] =	stream.indirect.scatter.add.f32 [tilespmem:s15], [sflag:$0x1], $0x20, s18, s14, $0xb8;
	[tilespmem:$0xB000] =	vst v63  }
0x29: {  	_ =	swait.ge [sflag:s12], $0x1000  }
0x2a: {  	s18 =	smov.u32 s20;
	[sflag:s12] =	ssyncset.done $0x0  }
0x2b: {  	s17 =	sshra.s32 s17, $0x2;
	[sflag:s12] =	ssyncadd.s32 $0xFFFFF000  }
0x2c: {  	[tilespmem:s15], [sflag:$0x1] =	stream.indirect.gather [hbm4b:s4+s14], $0x20, s17, s14, $0xb8;
	[tilespmem:$0xB000] =	vst v63  }
0x2d: {  	_ =	swait.ge [sflag:s12], $0x1000  }
0x2e: {  	[sflag:s12] =	ssyncset.done $0x0  }
0x2f: {  	s17 =	sadd.s32 $0x2800, s17;
	[sflag:s12] =	ssyncadd.s32 $0xFFFFF000  }
0x30: {  	[spmem:s2] =	stream.indirect.scatter.add.f32 [tilespmem:s15], [sflag:$0x1], $0x20, s17, s14, $0xb8;
	[tilespmem:$0xB000] =	vst v63  }
0x31: {  	_ =	swait.ge [sflag:s12], $0x1000  }
0x32: {  	s16 =	sadd.s32 $0x1, s16;
	[sflag:s12] =	ssyncset.done $0x0  }
0x33: {  	p0 =	sne.s32 s16, s10;
	[sflag:s12] =	ssyncadd.s32 $0xFFFFF000  }
.Ltmp1:
0x34: {  	[bflag:$0x0] =	sbarrier.arrive $0xFFFF;
	(pc) =	sbr.rel @p0 .LBB2_1-.Ltmp1, $4  }
0x35: {  	[hbm:s9], [sflag:s6] =	dma.local [spmem:s11], $0xA00  }
0x36: {  	_ =	swait.ge [sflag:s12], $0xA00  }
0x37: {  	[sflag:s12] =	ssyncset.done $0x0  }
0x38: {  	[sflag:s12] =	ssyncadd.s32 $0xFFFFF600  }
0x39: {  	_ =	sfence.sel $0x180000  }
0x3a: {  	[bflag:$0x0] =	sbarrier.arrive $0xFFFF  }
0x3b: {  	p0 =	sne.s32 s0, $0x0;
	_ =	strace $0x9000004A  }
0x3c: {  	s0 =	sadd.s32 @!p0 $0x100000, s1;
	[bflag:$0x2] =	sbarrier.arrive $0xFFFF  }
0x3d: {  	[sflag:s0] =	ssyncadd.tile.s32 @!p0 $0x1;
	_ =	shalt  }
.Lfunc_end2:
_tile_overlayer_lowered:
.L_overlay_start_2:
0x3e: {  	(tag) =	ssettag $0x2  }
0x3f: {  	s0 =	rddreg [dreg:$0x0];
	s2 =	stileid.u32  }
0x40: {  	s1 =	rddreg [dreg:$0x1];
	p0 =	sne.s32 s2, $0x0  }
0x41: {  	s3 =	rddreg [dreg:$0x2];
	[bflag:$0x3] =	sbarrier.arrive $0xFFFF;
	s2 =	simm.s32 @!p0 $0x1C01  }
0x42: {  	[timem:s3], [sflag:s2] =	dma.local @!p0 [hbm:s0], s1  }
0x43: {  	s0 =	simm.s32 @!p0 $0x1  }
0x44: {  	_ =	swait.ge @!p0 [sflag:s0], s1  }
0x45: {  	s1 =	ssub.s32 @!p0 $0x0, s1;
	[sflag:s0] =	ssyncset.done @!p0 $0x0  }
0x46: {  	[sflag:s0] =	ssyncadd.s32 @!p0 s1  }
0x47: {  	[bflag:$0x3] =	sbarrier.arrive $0xFFFF  }
0x48: {  	_ =	shalt  }

// kernel: kernel.14.cloned.1.call-start
scs
__scs_entry_jumppad:
0x0: {  	(pc) =	sbr.rel $0x88, $3  }
0x1: {  	(tag) =	ssettag $0x0;
	lr =	simm.s32 $0x1  }
0x2: {  	[smem:$0x3F9B] =	sst lr;
	_ =	strace $0xD0000000  }
0x3: {  	_ = 	snop  }
0x4: {  	_ = 	snop  }
0x5: {  	_ = 	snop  }
0x6: {  	_ = 	snop  }
0x7: {  	_ = 	snop  }
__scs_overlays_trampoline_lowered:
0x8: {  	[smem:$0x3FAA] =	sst s0  }
0x9: {  	[smem:$0x3FAB] =	sst s1  }
0xa: {  	[smem:$0x3FAC] =	sst s2  }
0xb: {  	[smem:$0x3FAD] =	sst s3  }
0xc: {  	[smem:$0x3FAE] =	sst s4  }
0xd: {  	[smem:$0x3FAF] =	sst s5  }
0xe: {  	[smem:$0x3FB0] =	sst s6  }
0xf: {  	[smem:$0x3FB1] =	sst s7  }
0x10: {  	[smem:$0x3FB2] =	sst s8  }
0x11: {  	[smem:$0x3FB3] =	sst s9;
	s0 =	simm.s32 @!p0 $0x0  }
0x12: {  	s1 =	sld [smem:$0x3F99];
	s0 =	simm.s32 @p0 $0x1  }
0x13: {  	[smem:$0x3FB4] =	sst s0;
	s0 =	simm.s32 @!p1 $0x0  }
0x14: {  	s2 =	sld [smem:$0x3F98];
	s0 =	simm.s32 @p1 $0x1  }
0x15: {  	[smem:$0x3FB5] =	sst s0;
	s0 =	simm.s32 @!p2 $0x0  }
0x16: {  	s3 =	sld [smem:$0x3FDB];
	s0 =	simm.s32 @p2 $0x1  }
0x17: {  	s4 =	simm.s32 $0x1BF5;
	[smem:$0x3FB7] =	sst s0  }
0x18: {  	s0 =	sld [smem:$0x3F9A];
	_ =	swait.ge [sflag:s4], $0x0  }
0x19: {  	s7 =	sld [smem:$0x3F9B]  }
0x1a: {  	s8 =	sadd.s32 $0xFFFFE003, lr  }
0x1b: {  	s9 =	sadd.s32 $0xFFFFFEF7, lr;
	s5 =	simm.s32 $0xFFFFFFFF;
	p2 =	slt.u32 s8, $0xFFFFF086  }
0x1c: {  	p1 =	slt.u32 s9, $0xF7A;
	s5 =	simm.s32 @!p2 $0x0  }
0x1d: {  	s5 =	simm.s32 @p1 $0x1;
	p0 =	seq.s32 s7, s2  }
0x1e: {  	s7 =	smul.u32 @!p0 $0xF7A, s2;
	p2 =	seq.s32 @!p0 s5, $0x0  }
0x1f: {  	s9 =	smul.u32 $0xF7A, s1;
	s8 =	simm.s32 @!p0 $0x1BF5;
	p2 =	por !p2, p0  }
0x20: {  	[sflag:s8] =	ssyncset.s32 @!p0 $0xFFFFF086;
	s6 =	sadd.s32 @!p0 s3, s7;
	s7 =	simm.s32 @!p0 $0x108  }
0x21: {  	s3 =	sadd.s32 s3, s9;
	s6 =	sadd.s32 @!p0 $0x88, s6;
	s7 =	simm.s32 @p2 $0x1082  }
0x22: {  	[simem:s7], [sflag:s8] =	dma.local @!p0 [hbm:s6], $0xF7A  }
0x23: {  	s9 =	sor.u32 $0xD0000000, s2;
	s6 =	simm.s32 $0x108;
	_ =	swait.ge @!p0 [sflag:s8], $0x0  }
0x24: {  	s3 =	sadd.s32 $0x88, s3;
	s6 =	simm.s32 @!p1 $0x1082;
	[sflag:s4] =	ssyncset.s32 $0xFFFFF086  }
0x25: {  	[simem:s6], [sflag:s4] =	dma.local [hbm:s3], $0xF7A  }
0x26: {  	[smem:$0x3F9B] =	sst s1;
	(tag) =	ssettag s2;
	_ =	strace s9  }
0x27: {  	s1 =	sld [smem:$0x3FAB]  }
0x28: {  	s2 =	sld [smem:$0x3FAC]  }
0x29: {  	s4 =	sld [smem:$0x3FAE]  }
0x2a: {  	p0 =	seq.s32 s5, $0x0;
	s5 =	sld [smem:$0x3FAF]  }
0x2b: {  	s6 =	sld [smem:$0x3FB0]  }
0x2c: {  	s7 =	sld [smem:$0x3FB1]  }
0x2d: {  	s3 =	simm.s32 $0x108;
	s8 =	sld [smem:$0x3FB2]  }
0x2e: {  	s3 =	simm.s32 @!p0 $0x1082;
	s9 =	sld [smem:$0x3FB3]  }
0x2f: {  	lr =	sadd.s32 s0, s3;
	s0 =	sld [smem:$0x3FAA]  }
0x30: {  	s3 =	sld [smem:$0x3FAD]  }
0x31: {  	[smem:$0x3FB6] =	sst s10  }
0x32: {  	s10 =	sld [smem:$0x3FB4];
	_ =	sdelay $0x3  }
0x33: {  	p0 =	seq.s32 s10, $0x1;
	s10 =	sld [smem:$0x3FB6];
	_ =	sdelay $0x3  }
0x34: {  	[smem:$0x3FB6] =	sst s10  }
0x35: {  	s10 =	sld [smem:$0x3FB5];
	_ =	sdelay $0x3  }
0x36: {  	p1 =	seq.s32 s10, $0x1;
	s10 =	sld [smem:$0x3FB6];
	_ =	sdelay $0x3  }
0x37: {  	[smem:$0x3FB6] =	sst s10  }
0x38: {  	s10 =	sld [smem:$0x3FB7]  }
0x39: {  	_ = 	snop;
	(pc) =	sbr.ind lr, $3  }
0x3a: {  	_ = 	snop  }
0x3b: {  	_ = 	snop  }
0x3c: {  	p2 =	seq.s32 s10, $0x1;
	s10 =	sld [smem:$0x3FB6]  }
0x3d: {  	_ =	shalt  }
0x3e: {  	_ =	shalt  }
0x3f: {  	_ =	shalt  }
0x40: {  	_ =	shalt  }
0x41: {  	_ =	shalt  }
0x42: {  	_ =	shalt  }
0x43: {  	_ =	shalt  }
0x44: {  	_ =	shalt  }
0x45: {  	_ =	shalt  }
0x46: {  	_ =	shalt  }
0x47: {  	_ =	shalt  }
0x48: {  	_ =	shalt  }
0x49: {  	_ =	shalt  }
0x4a: {  	_ =	shalt  }
0x4b: {  	_ =	shalt  }
0x4c: {  	_ =	shalt  }
0x4d: {  	_ =	shalt  }
0x4e: {  	_ =	shalt  }
0x4f: {  	_ =	shalt  }
0x50: {  	_ =	shalt  }
0x51: {  	_ =	shalt  }
0x52: {  	_ =	shalt  }
0x53: {  	_ =	shalt  }
0x54: {  	_ =	shalt  }
0x55: {  	_ =	shalt  }
0x56: {  	_ =	shalt  }
0x57: {  	_ =	shalt  }
0x58: {  	_ =	shalt  }
0x59: {  	_ =	shalt  }
0x5a: {  	_ =	shalt  }
0x5b: {  	_ =	shalt  }
0x5c: {  	_ =	shalt  }
0x5d: {  	_ =	shalt  }
0x5e: {  	_ =	shalt  }
0x5f: {  	_ =	shalt  }
0x60: {  	_ =	shalt  }
0x61: {  	_ =	shalt  }
0x62: {  	_ =	shalt  }
0x63: {  	_ =	shalt  }
0x64: {  	_ =	shalt  }
0x65: {  	_ =	shalt  }
0x66: {  	_ =	shalt  }
0x67: {  	_ =	shalt  }
0x68: {  	_ =	shalt  }
0x69: {  	_ =	shalt  }
0x6a: {  	_ =	shalt  }
0x6b: {  	_ =	shalt  }
0x6c: {  	_ =	shalt  }
0x6d: {  	_ =	shalt  }
0x6e: {  	_ =	shalt  }
0x6f: {  	_ =	shalt  }
0x70: {  	_ =	shalt  }
0x71: {  	_ =	shalt  }
0x72: {  	_ =	shalt  }
0x73: {  	_ =	shalt  }
0x74: {  	_ =	shalt  }
0x75: {  	_ =	shalt  }
0x76: {  	_ =	shalt  }
0x77: {  	_ =	shalt  }
0x78: {  	_ =	shalt  }
0x79: {  	_ =	shalt  }
0x7a: {  	_ =	shalt  }
0x7b: {  	_ =	shalt  }
0x7c: {  	_ =	shalt  }
0x7d: {  	_ =	shalt  }
0x7e: {  	_ =	shalt  }
0x7f: {  	_ =	shalt  }
0x80: {  	_ =	shalt  }
0x81: {  	_ =	shalt  }
0x82: {  	_ =	shalt  }
0x83: {  	_ =	shalt  }
0x84: {  	_ =	shalt  }
0x85: {  	_ =	shalt  }
0x86: {  	_ =	shalt  }
0x87: {  	_ =	shalt  }
.Lfunc_end0:
.L_simem_size_0:
called_computation.2_lowered:
.L_overlay_start_0:
0x88: {  	s2 =	sld [smem:$0x3FD9]  }
0x89: {  	s3 =	sld [smem:$0x3FFE];
	_ =	sdelay $0x1  }
0x8a: {  	s1 =	srdreg.scid  }
0x8b: {  	s0 =	sand.u32 $0x1, s1  }
0x8c: {  	s17 =	sshll.u32 s0, $0xA;
	s2 =	sadd.s32 s3, s2  }
0x8d: {  	s2 =	sadd.s32 s2, s17  }
0x8e: {  	[smem:$0x3FC2] =	sst s2  }
0x8f: {  	_ = 	snop  }
0x90: {  	s2 =	sld [smem:$0x3FD0];
	(tm) =	ssettm $0x1  }
0x91: {  	s18 =	sld [smem:$0x3FFB];
	_ =	sdelay $0x3  }
0x92: {  	_ =	strace s18  }
0x93: {  	s3 =	sld [smem:$0x3FFC];
	_ =	sdelay $0x3  }
0x94: {  	_ =	strace s3  }
0x95: {  	s3 =	sld [smem:$0x3FFD];
	_ =	sdelay $0x3  }
0x96: {  	_ =	strace s3  }
0x97: {  	_ =	strace $0x8FFFFFFF  }
0x98: {  	s19 =	sld [smem:$0x3FDB];
	_ =	sdelay $0x1  }
0x99: {  	s4 =	simm.s32 $_scs_section_size  }
0x9a: {  	s5 =	simm.s32 $_size__tile_overlayer_lowered;
	s6 =	simm.s32 $_tile_overlayer_lowered  }
0x9b: {  	s22 =	simm.s32 $0x1BFF;
	s21 =	sshll.u32 s6, $0x1;
	s3 =	sadd.s32 s4, s19  }
0x9c: {  	s7 =	simm.s32 $0x0;
	s20 =	sshll.u32 s5, $0x1;
	s5 =	sadd.s32 s21, s3  }
0x9d: {  	[timem:s7], [sflag:s22] =	dma.local [hbm:s5], s20  }
0x9e: {  	_ =	swait.ge [sflag:s22], s20  }
0x9f: {  	s4 =	ssub.s32 $0x0, s20;
	[sflag:s22] =	ssyncset.done $0x0  }
0xa0: {  	[sflag:s22] =	ssyncadd.s32 s4;
	_ =	sdelay $0x1  }
0xa1: {  	s23 =	simm.s32 $0x1B8B  }
0xa2: {  	_ =	swait.ge [sflag:s23], $0x1  }
0xa3: {  	[sflag:s23] =	ssyncset.done $0x0  }
0xa4: {  	s25 =	simm.s32 $0x1B8E;
	s24 =	sld [smem:$0x3FFE];
	[sflag:s23] =	ssyncadd.s32 $0xFFFFFFFF  }
0xa5: {  	s26 =	simm.s32 $execute0_lowered;
	[smem:$0x3FD2] =	sst s25  }
0xa6: {  	s5 =	sshll.u32 s26, $0x1;
	_ =	strace $0x8000004C;
	[dreg:$0x1] =	wrdreg $0xFFFFFFFF  }
0xa7: {  	s28 =	simm.s32 $_size_execute0_lowered;
	s3 =	sadd.s32 s3, s5;
	[dreg:$0x0] =	wrdreg $0x0  }
0xa8: {  	s5 =	sshll.u32 s28, $0x1;
	[dreg:$0x2] =	wrdreg s3  }
0xa9: {  	[dreg:$0x3] =	wrdreg s5  }
0xaa: {  	[dreg:$0x4] =	wrdreg $0xC0  }
0xab: {  	_ =	task [dreg:s7], $0x5FFFF  }
0xac: {  	[dreg:$0x1] =	wrdreg $0xFFFFFFFF  }
0xad: {  	[dreg:$0x0] =	wrdreg $0x60  }
0xae: {  	[dreg:$0x2] =	wrdreg s2  }
0xaf: {  	[dreg:$0x3] =	wrdreg s24  }
0xb0: {  	[dreg:$0x4] =	wrdreg $0x58000  }
0xb1: {  	[dreg:$0x5] =	wrdreg $0x9  }
0xb2: {  	_ =	task.clear_ibuf [dreg:s7], $0x6FFFF;
	_ =	strace $0x9000004C  }
0xb3: {  	s29 =	simm.s32 $0x9;
	_ =	strace $0x8000004E  }
0xb4: {  	_ =	swait.ge [sflag:s29], $0x1  }
0xb5: {  	[sflag:s29] =	ssyncadd.s32 $0xFFFFFFFF  }
0xb6: {  	_ =	strace $0x9000004E  }
0xb7: {  	_ =	sfence  }
0xb8: {  	s30 =	sld [smem:$0x0];
	_ =	sdelay $0x2  }
0xb9: {  	s31 =	sshll.u32 s1, $0xD;
	s1 =	sshrl.u32 s1, $0x2  }
0xba: {  	s3 =	sand.u32 $0x4000, s31;
	s1 =	sadd.s32 s1, s30  }
0xbb: {  	s0 =	sor.u32 s3, s0;
	s1 =	sshll.u32 s1, $0x11  }
0xbc: {  	s0 =	sor.u32 s1, s0  }
0xbd: {  	s0 =	sadd.s32 $0x8F2B, s0  }
0xbe: {  	[sflag:s0] =	ssyncadd.remote.s32 $0x1  }
0xbf: {  	_ =	sfence.sel $0xFFFF  }
0xc0: {  	[dreg:$0x0] =	wrdreg $0xFFFFFFFF;
	(pc) =	sbr.abs _section_cstart, $3  }
0xc1: {  	[dreg:$0x1] =	wrdreg $0xFFFFFFFF  }
0xc2: {  	_ =	task.clear_ibuf [dreg:s7], $0x2FFFF;
	_ =	strace $0x9FFFFFFF  }
0xc3: {  	(tm) =	ssettm $0x7FFFFFFF  }
tec
execute0_lowered:
.L_overlay_start_1:
0x0: {  	(tag) =	ssettag $0x1  }
0x1: {  	s2 =	rddreg [dreg:$0x0]  }
0x2: {  	s1 =	srdreg.scid;
	s6 =	rddreg [dreg:$0x1]  }
0x3: {  	s0 =	stileid.u32;
	s3 =	rddreg [dreg:$0x2]  }
0x4: {  	s4 =	simm.s32 $0x0;
	s14 =	simm.s32 $0x80;
	s15 =	simm.s32 $0x5000  }
0x5: {  	s16 =	simm.s32 $0x0;
	s5 =	sand.u32 $0x1, s1;
	s26 =	sshll.u32 s0, $0x1  }
0x6: {  	s8 =	smul.u32 $0x2800, s0;
	[smem:$0x7FF] =	sst s4;
	s31 =	sshll.u32 s0, $0x6  }
0x7: {  	s1 =	sor.u32 s5, s26;
	s9 =	smul.u32 $0x28000, s5;
	s5 =	ssub.s32 $0x2, s5  }
0x8: {  	s7 =	smul.u32 $0x500, s1;
	s1 =	rddreg [dreg:$0x3];
	_ =	strace $0x8000004D  }
0x9: {  	s29 =	sshrl.u32 s8, $0x3;
	s30 =	sshrl.u32 s5, $0x1;
	s13 =	sadd.s32 s8, s3  }
0xa: {  	s28 =	sadd.s32 s8, s9;
	s9 =	sadd.s32 s29, s6;
	s12 =	ssub.s32 s5, s30  }
0xb: {  	s10 =	sadd.s32 s7, s6;
	s7 =	sshrl.u32 s28, $0x3;
	s5 =	sadd.s32 $0x15A00, s9  }
0xc: {  	s11 =	sadd.s32 s7, s6;
	s6 =	sor.u32 $0x1C01, s31;
	s7 =	sadd.s32 $0xBA00, s10  }
0xd: {  	s8 =	sadd.s32 $0x1A00, s10;
	s10 =	smax.u32 s12, $0x1;
	s12 =	simm.s32 $0x1  }
0xe: {  	s9 =	sadd.s32 $0x1AA00, s11;
	s11 =	sshrl.u32 s13, $0x3;
	s13 =	simm.s32 $0x2800  }
.LBB2_1:
0xf: {  	[spmem:s11], [sflag:s6] =	dma.local [hbm:s5], $0x500  }
0x10: {  	_ =	swait.ge [sflag:s12], $0x500  }
0x11: {  	[sflag:s12] =	ssyncset.done $0x0  }
0x12: {  	[sflag:s12] =	ssyncadd.s32 $0xFFFFFB00  }
0x13: {  	[tilespmem:s4], [sflag:$0x1] =	stream.linear.gather [hbm4b:s7+s4], $0x2800, $0x38;
	[tilespmem:$0x8000] =	vst v63  }
0x14: {  	_ =	swait.ge [sflag:s12], $0x2800  }
0x15: {  	[sflag:s12] =	ssyncset.done $0x0  }
0x16: {  	[sflag:s12] =	ssyncadd.s32 $0xFFFFD800  }
0x17: {  	[tilespmem:s13], [sflag:$0x1] =	stream.linear.gather [hbm4b:s8+s4], $0x2800, $0x38;
	[tilespmem:$0x8000] =	vst v63  }
0x18: {  	_ =	swait.ge [sflag:s12], $0x2800  }
0x19: {  	[sflag:s12] =	ssyncset.done $0x0  }
0x1a: {  	[sflag:s12] =	ssyncadd.s32 $0xFFFFD800  }
0x1b: {  	s17 =	simm.s32 $0x0;
	[bflag:$0x0] =	sbarrier.arrive $0xFFFF  }
0x1c: {  	[tilespmem:s15], [sflag:$0x1] =	stream.indirect.gather [hbm4b:s2+s14], $0x10, s17, s14, $0xb8;
	[tilespmem:$0x8000] =	vst v63  }
0x1d: {  	_ =	swait.ge [sflag:s12], $0x800  }
0x1e: {  	[sflag:s12] =	ssyncset.done $0x0  }
0x1f: {  	s31 =	simm.s32 $0x2800;
	[sflag:s12] =	ssyncadd.s32 $0xFFFFF800  }
0x20: {  	[spmem:s3] =	stream.indirect.scatter.add.f32 [tilespmem:s15], [sflag:$0x1], $0x10, s31, s14, $0xb8;
	[tilespmem:$0x8000] =	vst v63  }
0x21: {  	_ =	swait.ge [sflag:s12], $0x800  }
0x22: {  	s18 =	simm.s32 $0x400;
	s17 =	simm.s32 $0x200;
	[sflag:s12] =	ssyncset.done $0x0  }
.LBB2_2:
0x23: {  	s19 =	sshra.s32 s17, $0x2  }
0x24: {  	[sflag:s12] =	ssyncadd.s32 $0xFFFFF800;
	s17 =	smov.u32 s18;
	s20 =	sadd.s32 $0x200, s18  }
0x25: {  	[tilespmem:s15], [sflag:$0x1] =	stream.indirect.gather [hbm4b:s2+s14], $0x10, s19, s14, $0xb8;
	[tilespmem:$0x8000] =	vst v63  }
0x26: {  	p0 =	sne.s32 s18, $0x9E00;
	_ =	swait.ge [sflag:s12], $0x800  }
.Ltmp0:
0x27: {  	[sflag:s12] =	ssyncset.done $0x0;
	(pc) =	sbr.rel @p0 .LBB2_2-.Ltmp0, $4  }
0x28: {  	s18 =	sadd.s32 $0x2800, s19;
	[sflag:s12] =	ssyncadd.s32 $0xFFFFF800  }
0x29: {  	[spmem:s3] =	stream.indirect.scatter.add.f32 [tilespmem:s15], [sflag:$0x1], $0x10, s18, s14, $0xb8;
	[tilespmem:$0x8000] =	vst v63  }
0x2a: {  	_ =	swait.ge [sflag:s12], $0x800  }
0x2b: {  	s18 =	smov.u32 s20;
	[sflag:s12] =	ssyncset.done $0x0  }
0x2c: {  	s17 =	sshra.s32 s17, $0x2;
	[sflag:s12] =	ssyncadd.s32 $0xFFFFF800  }
0x2d: {  	[tilespmem:s15], [sflag:$0x1] =	stream.indirect.gather [hbm4b:s2+s14], $0x10, s17, s14, $0xb8;
	[tilespmem:$0x8000] =	vst v63  }
0x2e: {  	_ =	swait.ge [sflag:s12], $0x800  }
0x2f: {  	[sflag:s12] =	ssyncset.done $0x0  }
0x30: {  	s17 =	sadd.s32 $0x2800, s17;
	[sflag:s12] =	ssyncadd.s32 $0xFFFFF800  }
0x31: {  	[spmem:s3] =	stream.indirect.scatter.add.f32 [tilespmem:s15], [sflag:$0x1], $0x10, s17, s14, $0xb8;
	[tilespmem:$0x8000] =	vst v63  }
0x32: {  	_ =	swait.ge [sflag:s12], $0x800  }
0x33: {  	s16 =	sadd.s32 $0x1, s16;
	[sflag:s12] =	ssyncset.done $0x0  }
0x34: {  	p0 =	sne.s32 s16, s10;
	[sflag:s12] =	ssyncadd.s32 $0xFFFFF800  }
.Ltmp1:
0x35: {  	[bflag:$0x0] =	sbarrier.arrive $0xFFFF;
	(pc) =	sbr.rel @p0 .LBB2_1-.Ltmp1, $4  }
0x36: {  	[hbm:s9], [sflag:s6] =	dma.local [spmem:s11], $0x500  }
0x37: {  	_ =	swait.ge [sflag:s12], $0x500  }
0x38: {  	[sflag:s12] =	ssyncset.done $0x0  }
0x39: {  	[sflag:s12] =	ssyncadd.s32 $0xFFFFFB00  }
0x3a: {  	_ =	sfence.sel $0x180000  }
0x3b: {  	[bflag:$0x0] =	sbarrier.arrive $0xFFFF  }
0x3c: {  	p0 =	sne.s32 s0, $0x0;
	_ =	strace $0x9000004D  }
0x3d: {  	s0 =	sadd.s32 @!p0 $0x100000, s1;
	[bflag:$0x2] =	sbarrier.arrive $0xFFFF  }
0x3e: {  	[sflag:s0] =	ssyncadd.tile.s32 @!p0 $0x1;
	_ =	shalt  }
.Lfunc_end2:
_tile_overlayer_lowered:
.L_overlay_start_2:
0x3f: {  	(tag) =	ssettag $0x2  }
0x40: {  	s0 =	rddreg [dreg:$0x0];
	s2 =	stileid.u32  }
0x41: {  	s1 =	rddreg [dreg:$0x1];
	p0 =	sne.s32 s2, $0x0  }
0x42: {  	s3 =	rddreg [dreg:$0x2];
	[bflag:$0x3] =	sbarrier.arrive $0xFFFF;
	s2 =	simm.s32 @!p0 $0x1C01  }
0x43: {  	[timem:s3], [sflag:s2] =	dma.local @!p0 [hbm:s0], s1  }
0x44: {  	s0 =	simm.s32 @!p0 $0x1  }
0x45: {  	_ =	swait.ge @!p0 [sflag:s0], s1  }
0x46: {  	s1 =	ssub.s32 @!p0 $0x0, s1;
	[sflag:s0] =	ssyncset.done @!p0 $0x0  }
0x47: {  	[sflag:s0] =	ssyncadd.s32 @!p0 s1  }
0x48: {  	[bflag:$0x3] =	sbarrier.arrive $0xFFFF  }
0x49: {  	_ =	shalt  }

// kernel: kernel.8.cloned.1.call-start
scs
__scs_entry_jumppad:
0x0: {  	(pc) =	sbr.rel $0x88, $3  }
0x1: {  	(tag) =	ssettag $0x0;
	lr =	simm.s32 $0x1  }
0x2: {  	[smem:$0x3F9B] =	sst lr;
	_ =	strace $0xD0000000  }
0x3: {  	_ = 	snop  }
0x4: {  	_ = 	snop  }
0x5: {  	_ = 	snop  }
0x6: {  	_ = 	snop  }
0x7: {  	_ = 	snop  }
__scs_overlays_trampoline_lowered:
0x8: {  	[smem:$0x3FAA] =	sst s0  }
0x9: {  	[smem:$0x3FAB] =	sst s1  }
0xa: {  	[smem:$0x3FAC] =	sst s2  }
0xb: {  	[smem:$0x3FAD] =	sst s3  }
0xc: {  	[smem:$0x3FAE] =	sst s4  }
0xd: {  	[smem:$0x3FAF] =	sst s5  }
0xe: {  	[smem:$0x3FB0] =	sst s6  }
0xf: {  	[smem:$0x3FB1] =	sst s7  }
0x10: {  	[smem:$0x3FB2] =	sst s8  }
0x11: {  	[smem:$0x3FB3] =	sst s9;
	s0 =	simm.s32 @!p0 $0x0  }
0x12: {  	s1 =	sld [smem:$0x3F99];
	s0 =	simm.s32 @p0 $0x1  }
0x13: {  	[smem:$0x3FB4] =	sst s0;
	s0 =	simm.s32 @!p1 $0x0  }
0x14: {  	s2 =	sld [smem:$0x3F98];
	s0 =	simm.s32 @p1 $0x1  }
0x15: {  	[smem:$0x3FB5] =	sst s0;
	s0 =	simm.s32 @!p2 $0x0  }
0x16: {  	s3 =	sld [smem:$0x3FDB];
	s0 =	simm.s32 @p2 $0x1  }
0x17: {  	s4 =	simm.s32 $0x1BF5;
	[smem:$0x3FB7] =	sst s0  }
0x18: {  	s0 =	sld [smem:$0x3F9A];
	_ =	swait.ge [sflag:s4], $0x0  }
0x19: {  	s7 =	sld [smem:$0x3F9B]  }
0x1a: {  	s8 =	sadd.s32 $0xFFFFE003, lr  }
0x1b: {  	s9 =	sadd.s32 $0xFFFFFEF7, lr;
	s5 =	simm.s32 $0xFFFFFFFF;
	p2 =	slt.u32 s8, $0xFFFFF086  }
0x1c: {  	p1 =	slt.u32 s9, $0xF7A;
	s5 =	simm.s32 @!p2 $0x0  }
0x1d: {  	s5 =	simm.s32 @p1 $0x1;
	p0 =	seq.s32 s7, s2  }
0x1e: {  	s7 =	smul.u32 @!p0 $0xF7A, s2;
	p2 =	seq.s32 @!p0 s5, $0x0  }
0x1f: {  	s9 =	smul.u32 $0xF7A, s1;
	s8 =	simm.s32 @!p0 $0x1BF5;
	p2 =	por !p2, p0  }
0x20: {  	[sflag:s8] =	ssyncset.s32 @!p0 $0xFFFFF086;
	s6 =	sadd.s32 @!p0 s3, s7;
	s7 =	simm.s32 @!p0 $0x108  }
0x21: {  	s3 =	sadd.s32 s3, s9;
	s6 =	sadd.s32 @!p0 $0x88, s6;
	s7 =	simm.s32 @p2 $0x1082  }
0x22: {  	[simem:s7], [sflag:s8] =	dma.local @!p0 [hbm:s6], $0xF7A  }
0x23: {  	s9 =	sor.u32 $0xD0000000, s2;
	s6 =	simm.s32 $0x108;
	_ =	swait.ge @!p0 [sflag:s8], $0x0  }
0x24: {  	s3 =	sadd.s32 $0x88, s3;
	s6 =	simm.s32 @!p1 $0x1082;
	[sflag:s4] =	ssyncset.s32 $0xFFFFF086  }
0x25: {  	[simem:s6], [sflag:s4] =	dma.local [hbm:s3], $0xF7A  }
0x26: {  	[smem:$0x3F9B] =	sst s1;
	(tag) =	ssettag s2;
	_ =	strace s9  }
0x27: {  	s1 =	sld [smem:$0x3FAB]  }
0x28: {  	s2 =	sld [smem:$0x3FAC]  }
0x29: {  	s4 =	sld [smem:$0x3FAE]  }
0x2a: {  	p0 =	seq.s32 s5, $0x0;
	s5 =	sld [smem:$0x3FAF]  }
0x2b: {  	s6 =	sld [smem:$0x3FB0]  }
0x2c: {  	s7 =	sld [smem:$0x3FB1]  }
0x2d: {  	s3 =	simm.s32 $0x108;
	s8 =	sld [smem:$0x3FB2]  }
0x2e: {  	s3 =	simm.s32 @!p0 $0x1082;
	s9 =	sld [smem:$0x3FB3]  }
0x2f: {  	lr =	sadd.s32 s0, s3;
	s0 =	sld [smem:$0x3FAA]  }
0x30: {  	s3 =	sld [smem:$0x3FAD]  }
0x31: {  	[smem:$0x3FB6] =	sst s10  }
0x32: {  	s10 =	sld [smem:$0x3FB4];
	_ =	sdelay $0x3  }
0x33: {  	p0 =	seq.s32 s10, $0x1;
	s10 =	sld [smem:$0x3FB6];
	_ =	sdelay $0x3  }
0x34: {  	[smem:$0x3FB6] =	sst s10  }
0x35: {  	s10 =	sld [smem:$0x3FB5];
	_ =	sdelay $0x3  }
0x36: {  	p1 =	seq.s32 s10, $0x1;
	s10 =	sld [smem:$0x3FB6];
	_ =	sdelay $0x3  }
0x37: {  	[smem:$0x3FB6] =	sst s10  }
0x38: {  	s10 =	sld [smem:$0x3FB7]  }
0x39: {  	_ = 	snop;
	(pc) =	sbr.ind lr, $3  }
0x3a: {  	_ = 	snop  }
0x3b: {  	_ = 	snop  }
0x3c: {  	p2 =	seq.s32 s10, $0x1;
	s10 =	sld [smem:$0x3FB6]  }
0x3d: {  	_ =	shalt  }
0x3e: {  	_ =	shalt  }
0x3f: {  	_ =	shalt  }
0x40: {  	_ =	shalt  }
0x41: {  	_ =	shalt  }
0x42: {  	_ =	shalt  }
0x43: {  	_ =	shalt  }
0x44: {  	_ =	shalt  }
0x45: {  	_ =	shalt  }
0x46: {  	_ =	shalt  }
0x47: {  	_ =	shalt  }
0x48: {  	_ =	shalt  }
0x49: {  	_ =	shalt  }
0x4a: {  	_ =	shalt  }
0x4b: {  	_ =	shalt  }
0x4c: {  	_ =	shalt  }
0x4d: {  	_ =	shalt  }
0x4e: {  	_ =	shalt  }
0x4f: {  	_ =	shalt  }
0x50: {  	_ =	shalt  }
0x51: {  	_ =	shalt  }
0x52: {  	_ =	shalt  }
0x53: {  	_ =	shalt  }
0x54: {  	_ =	shalt  }
0x55: {  	_ =	shalt  }
0x56: {  	_ =	shalt  }
0x57: {  	_ =	shalt  }
0x58: {  	_ =	shalt  }
0x59: {  	_ =	shalt  }
0x5a: {  	_ =	shalt  }
0x5b: {  	_ =	shalt  }
0x5c: {  	_ =	shalt  }
0x5d: {  	_ =	shalt  }
0x5e: {  	_ =	shalt  }
0x5f: {  	_ =	shalt  }
0x60: {  	_ =	shalt  }
0x61: {  	_ =	shalt  }
0x62: {  	_ =	shalt  }
0x63: {  	_ =	shalt  }
0x64: {  	_ =	shalt  }
0x65: {  	_ =	shalt  }
0x66: {  	_ =	shalt  }
0x67: {  	_ =	shalt  }
0x68: {  	_ =	shalt  }
0x69: {  	_ =	shalt  }
0x6a: {  	_ =	shalt  }
0x6b: {  	_ =	shalt  }
0x6c: {  	_ =	shalt  }
0x6d: {  	_ =	shalt  }
0x6e: {  	_ =	shalt  }
0x6f: {  	_ =	shalt  }
0x70: {  	_ =	shalt  }
0x71: {  	_ =	shalt  }
0x72: {  	_ =	shalt  }
0x73: {  	_ =	shalt  }
0x74: {  	_ =	shalt  }
0x75: {  	_ =	shalt  }
0x76: {  	_ =	shalt  }
0x77: {  	_ =	shalt  }
0x78: {  	_ =	shalt  }
0x79: {  	_ =	shalt  }
0x7a: {  	_ =	shalt  }
0x7b: {  	_ =	shalt  }
0x7c: {  	_ =	shalt  }
0x7d: {  	_ =	shalt  }
0x7e: {  	_ =	shalt  }
0x7f: {  	_ =	shalt  }
0x80: {  	_ =	shalt  }
0x81: {  	_ =	shalt  }
0x82: {  	_ =	shalt  }
0x83: {  	_ =	shalt  }
0x84: {  	_ =	shalt  }
0x85: {  	_ =	shalt  }
0x86: {  	_ =	shalt  }
0x87: {  	_ =	shalt  }
.Lfunc_end0:
.L_simem_size_0:
called_computation_lowered:
.L_overlay_start_0:
0x88: {  	s2 =	sld [smem:$0x3FD9]  }
0x89: {  	s3 =	sld [smem:$0x3FFE];
	_ =	sdelay $0x1  }
0x8a: {  	s1 =	srdreg.scid  }
0x8b: {  	s0 =	sand.u32 $0x1, s1  }
0x8c: {  	s17 =	sshll.u32 s0, $0xA;
	s2 =	sadd.s32 s3, s2  }
0x8d: {  	s2 =	sadd.s32 s2, s17  }
0x8e: {  	[smem:$0x3FC2] =	sst s2  }
0x8f: {  	_ = 	snop  }
0x90: {  	s2 =	sld [smem:$0x3FD0];
	(tm) =	ssettm $0x1  }
0x91: {  	s18 =	sld [smem:$0x3FFB];
	_ =	sdelay $0x3  }
0x92: {  	_ =	strace s18  }
0x93: {  	s3 =	sld [smem:$0x3FFC];
	_ =	sdelay $0x3  }
0x94: {  	_ =	strace s3  }
0x95: {  	s3 =	sld [smem:$0x3FFD];
	_ =	sdelay $0x3  }
0x96: {  	_ =	strace s3  }
0x97: {  	_ =	strace $0x8FFFFFFF  }
0x98: {  	s19 =	sld [smem:$0x3FDB];
	_ =	sdelay $0x1  }
0x99: {  	s4 =	simm.s32 $_scs_section_size  }
0x9a: {  	s5 =	simm.s32 $_size__tile_overlayer_lowered;
	s6 =	simm.s32 $_tile_overlayer_lowered  }
0x9b: {  	s22 =	simm.s32 $0x1BFF;
	s21 =	sshll.u32 s6, $0x1;
	s3 =	sadd.s32 s4, s19  }
0x9c: {  	s7 =	simm.s32 $0x0;
	s20 =	sshll.u32 s5, $0x1;
	s5 =	sadd.s32 s21, s3  }
0x9d: {  	[timem:s7], [sflag:s22] =	dma.local [hbm:s5], s20  }
0x9e: {  	_ =	swait.ge [sflag:s22], s20  }
0x9f: {  	s4 =	ssub.s32 $0x0, s20;
	[sflag:s22] =	ssyncset.done $0x0  }
0xa0: {  	[sflag:s22] =	ssyncadd.s32 s4;
	_ =	sdelay $0x1  }
0xa1: {  	s23 =	simm.s32 $0x1B8B  }
0xa2: {  	_ =	swait.ge [sflag:s23], $0x1  }
0xa3: {  	[sflag:s23] =	ssyncset.done $0x0  }
0xa4: {  	s25 =	simm.s32 $0x1B8E;
	s24 =	sld [smem:$0x3FFE];
	[sflag:s23] =	ssyncadd.s32 $0xFFFFFFFF  }
0xa5: {  	s26 =	simm.s32 $execute0_lowered;
	[smem:$0x3FD2] =	sst s25  }
0xa6: {  	s5 =	sshll.u32 s26, $0x1;
	_ =	strace $0x80000046;
	[dreg:$0x1] =	wrdreg $0xFFFFFFFF  }
0xa7: {  	s28 =	simm.s32 $_size_execute0_lowered;
	s3 =	sadd.s32 s3, s5;
	[dreg:$0x0] =	wrdreg $0x0  }
0xa8: {  	s5 =	sshll.u32 s28, $0x1;
	[dreg:$0x2] =	wrdreg s3  }
0xa9: {  	[dreg:$0x3] =	wrdreg s5  }
0xaa: {  	[dreg:$0x4] =	wrdreg $0xC0  }
0xab: {  	_ =	task [dreg:s7], $0x5FFFF  }
0xac: {  	[dreg:$0x1] =	wrdreg $0xFFFFFFFF  }
0xad: {  	[dreg:$0x0] =	wrdreg $0x60  }
0xae: {  	[dreg:$0x2] =	wrdreg s24  }
0xaf: {  	[dreg:$0x3] =	wrdreg s2  }
0xb0: {  	[dreg:$0x4] =	wrdreg $0x2C000  }
0xb1: {  	[dreg:$0x5] =	wrdreg $0x9  }
0xb2: {  	_ =	task.clear_ibuf [dreg:s7], $0x6FFFF;
	_ =	strace $0x90000046  }
0xb3: {  	s29 =	simm.s32 $0x9;
	_ =	strace $0x80000048  }
0xb4: {  	_ =	swait.ge [sflag:s29], $0x1  }
0xb5: {  	[sflag:s29] =	ssyncadd.s32 $0xFFFFFFFF  }
0xb6: {  	_ =	strace $0x90000048  }
0xb7: {  	_ =	sfence  }
0xb8: {  	s30 =	sld [smem:$0x0];
	_ =	sdelay $0x2  }
0xb9: {  	s31 =	sshll.u32 s1, $0xD;
	s1 =	sshrl.u32 s1, $0x2  }
0xba: {  	s3 =	sand.u32 $0x4000, s31;
	s1 =	sadd.s32 s1, s30  }
0xbb: {  	s0 =	sor.u32 s3, s0;
	s1 =	sshll.u32 s1, $0x11  }
0xbc: {  	s0 =	sor.u32 s1, s0  }
0xbd: {  	s0 =	sadd.s32 $0x8F2B, s0  }
0xbe: {  	[sflag:s0] =	ssyncadd.remote.s32 $0x1  }
0xbf: {  	_ =	sfence.sel $0xFFFF  }
0xc0: {  	[dreg:$0x0] =	wrdreg $0xFFFFFFFF;
	(pc) =	sbr.abs _section_cstart, $3  }
0xc1: {  	[dreg:$0x1] =	wrdreg $0xFFFFFFFF  }
0xc2: {  	_ =	task.clear_ibuf [dreg:s7], $0x2FFFF;
	_ =	strace $0x9FFFFFFF  }
0xc3: {  	(tm) =	ssettm $0x7FFFFFFF  }
tec
execute0_lowered:
.L_overlay_start_1:
0x0: {  	(tag) =	ssettag $0x1  }
0x1: {  	s5 =	rddreg [dreg:$0x0]  }
0x2: {  	s1 =	srdreg.scid;
	s6 =	rddreg [dreg:$0x1]  }
0x3: {  	s0 =	stileid.u32;
	s2 =	rddreg [dreg:$0x2];
	s3 =	simm.s32 $0x0  }
0x4: {  	s13 =	simm.s32 $0x80;
	s14 =	simm.s32 $0x0;
	s4 =	sand.u32 $0x1, s1  }
0x5: {  	s29 =	sshll.u32 s0, $0x1;
	s8 =	smul.u32 $0x1400, s0;
	[smem:$0x7FF] =	sst s3  }
0x6: {  	s31 =	sshll.u32 s0, $0x6;
	s1 =	sor.u32 s4, s29;
	s9 =	smul.u32 $0x14000, s4  }
0x7: {  	s10 =	ssub.s32 $0x2, s4;
	s4 =	sadd.s32 $0x1800, s5;
	s7 =	smul.u32 $0x500, s1  }
0x8: {  	s1 =	rddreg [dreg:$0x3];
	_ =	strace $0x80000047;
	s11 =	sshrl.u32 s10, $0x1  }
0x9: {  	s30 =	sshrl.u32 s8, $0x3;
	s12 =	sadd.s32 s8, s2;
	s9 =	sadd.s32 s8, s9  }
0xa: {  	s10 =	ssub.s32 s10, s11;
	s11 =	sor.u32 $0x1C01, s31;
	s12 =	sshrl.u32 s12, $0x3  }
0xb: {  	s7 =	sadd.s32 s7, s5;
	s9 =	sshrl.u32 s9, $0x3;
	s8 =	smax.u32 s10, $0x1  }
0xc: {  	s10 =	simm.s32 $0x1;
	s9 =	sadd.s32 s9, s5;
	s5 =	sadd.s32 s6, s30  }
0xd: {  	s6 =	sadd.s32 $0x1A00, s7;
	s7 =	sadd.s32 $0x15A00, s9;
	s9 =	simm.s32 $0x2800  }
.LBB2_1:
0xe: {  	[tilespmem:s9], [sflag:$0x1] =	stream.linear.gather [hbm4b:s4+s3], $0x400, $0x38;
	[tilespmem:$0x2E80] =	vst v63  }
0xf: {  	_ =	swait.ge [sflag:s10], $0x400  }
0x10: {  	[sflag:s10] =	ssyncset.done $0x0  }
0x11: {  	[sflag:s10] =	ssyncadd.s32 $0xFFFFFC00  }
0x12: {  	[spmem:s12], [sflag:s11] =	dma.local [hbm:s5], $0x280  }
0x13: {  	_ =	swait.ge [sflag:s10], $0x280  }
0x14: {  	[sflag:s10] =	ssyncset.done $0x0  }
0x15: {  	[sflag:s10] =	ssyncadd.s32 $0xFFFFFD80  }
0x16: {  	[tilespmem:s3], [sflag:$0x1] =	stream.linear.gather [hbm4b:s6+s3], $0x2800, $0x38;
	[tilespmem:$0x2E80] =	vst v63  }
0x17: {  	_ =	swait.ge [sflag:s10], $0x2800  }
0x18: {  	[sflag:s10] =	ssyncset.done $0x0  }
0x19: {  	[sflag:s10] =	ssyncadd.s32 $0xFFFFD800  }
0x1a: {  	s15 =	simm.s32 $0x0;
	[bflag:$0x0] =	sbarrier.arrive $0xFFFF  }
0x1b: {  	[spmem:s2] =	stream.indirect.scatter.add.f32 [tilespmem:s9], [sflag:$0x1], $0x1, s15, s13, $0xb8;
	[tilespmem:$0x2E80] =	vst v63  }
0x1c: {  	_ =	swait.ge [sflag:s10], $0x80  }
0x1d: {  	s15 =	simm.s32 $0x200;
	[sflag:s10] =	ssyncset.done $0x0  }
.LBB2_2:
0x1e: {  	s16 =	sshra.s32 s15, $0x2;
	[sflag:s10] =	ssyncadd.s32 $0xFFFFFF80;
	p0 =	sne.s32 s15, $0x9E00  }
0x1f: {  	[spmem:s2] =	stream.indirect.scatter.add.f32 [tilespmem:s9], [sflag:$0x1], $0x1, s16, s13, $0xb8;
	[tilespmem:$0x2E80] =	vst v63  }
.Ltmp0:
0x20: {  	_ = 	snop;
	(pc) =	sbr.rel @p0 .LBB2_2-.Ltmp0, $4  }
0x21: {  	_ = 	snop  }
0x22: {  	s15 =	sadd.s32 $0x200, s15  }
0x23: {  	_ =	swait.ge [sflag:s10], $0x80  }
0x24: {  	[sflag:s10] =	ssyncset.done $0x0  }
0x25: {  	s14 =	sadd.s32 $0x1, s14  }
0x26: {  	[sflag:s10] =	ssyncadd.s32 $0xFFFFFF80;
	p0 =	sne.s32 s14, s8  }
.Ltmp1:
0x27: {  	[bflag:$0x0] =	sbarrier.arrive $0xFFFF;
	(pc) =	sbr.rel @p0 .LBB2_1-.Ltmp1, $4  }
0x28: {  	[hbm:s7], [sflag:s11] =	dma.local [spmem:s12], $0x280  }
0x29: {  	_ =	swait.ge [sflag:s10], $0x280  }
0x2a: {  	[sflag:s10] =	ssyncset.done $0x0  }
0x2b: {  	[sflag:s10] =	ssyncadd.s32 $0xFFFFFD80  }
0x2c: {  	_ =	sfence.sel $0x180000  }
0x2d: {  	[bflag:$0x0] =	sbarrier.arrive $0xFFFF  }
0x2e: {  	p0 =	sne.s32 s0, $0x0;
	_ =	strace $0x90000047  }
0x2f: {  	s0 =	sadd.s32 @!p0 $0x100000, s1;
	[bflag:$0x2] =	sbarrier.arrive $0xFFFF  }
0x30: {  	[sflag:s0] =	ssyncadd.tile.s32 @!p0 $0x1;
	_ =	shalt  }
.Lfunc_end2:
_tile_overlayer_lowered:
.L_overlay_start_2:
0x31: {  	(tag) =	ssettag $0x2  }
0x32: {  	s0 =	rddreg [dreg:$0x0];
	s2 =	stileid.u32  }
0x33: {  	s1 =	rddreg [dreg:$0x1];
	p0 =	sne.s32 s2, $0x0  }
0x34: {  	s3 =	rddreg [dreg:$0x2];
	[bflag:$0x3] =	sbarrier.arrive $0xFFFF;
	s2 =	simm.s32 @!p0 $0x1C01  }
0x35: {  	[timem:s3], [sflag:s2] =	dma.local @!p0 [hbm:s0], s1  }
0x36: {  	s0 =	simm.s32 @!p0 $0x1  }
0x37: {  	_ =	swait.ge @!p0 [sflag:s0], s1  }
0x38: {  	s1 =	ssub.s32 @!p0 $0x0, s1;
	[sflag:s0] =	ssyncset.done @!p0 $0x0  }
0x39: {  	[sflag:s0] =	ssyncadd.s32 @!p0 s1  }
0x3a: {  	[bflag:$0x3] =	sbarrier.arrive $0xFFFF  }
0x3b: {  	_ =	shalt  }

</sc_bundles>
